<compile_context>
chip_gen: v7x
topology: tpu7x:2x2x1
jax: 0.10.2.dev20260603
libtpu: 0.0.44.dev20260713+nightly
codegen_flags: <defaults>
</compile_context>

<pallas_src>
import functools

import jax
import jax.numpy as jnp
from jax import lax
from jax.experimental import pallas as pl
from jax.experimental.pallas import tpu as pltpu
from jax.experimental.pallas import tpu_sc as plsc

ADIM = 32
BDIM = 16
NC, NS = 2, 16
NW = NC * NS
CH = 128

_f32 = jnp.float32
_SC_PARAMS = pltpu.CompilerParams(use_tc_tiling_on_sc=False)


def _make_gather(bn: int, be: int):
    per_w = be // NW
    nch = per_w // CH
    mesh = plsc.VectorSubcoreMesh(core_axis_name="c", subcore_axis_name="s")

    @functools.partial(
        pl.kernel,
        out_type=jax.ShapeDtypeStruct((be, 128), _f32),
        mesh=mesh,
        scratch_types=[
            pltpu.VMEM((nch, CH), jnp.int32),
            pltpu.VMEM((per_w, ADIM), _f32),
            pltpu.SemaphoreType.DMA,
        ],
        compiler_params=_SC_PARAMS,
    )
    def gather_kernel(table_hbm, idx_hbm, out_hbm, idx_v, rows_v, sem):
        wid = lax.axis_index("s") * NC + lax.axis_index("c")
        pltpu.sync_copy(idx_hbm.at[wid], idx_v)
        copies = []
        for j in range(nch):
            copies.append(
                pltpu.async_copy(
                    table_hbm.at[idx_v.at[j]],
                    rows_v.at[pl.ds(j * CH, CH)],
                    sem,
                )
            )
        for c in copies:
            c.wait()
        pltpu.sync_copy(
            rows_v, out_hbm.at[pl.ds(wid * per_w, per_w), pl.ds(0, ADIM)]
        )

    return gather_kernel


def _make_scatter(bn: int, be: int):
    per_w = be // NW
    nch = per_w // CH
    rows_per_s = bn // NS
    zrows = 64
    mesh = plsc.VectorSubcoreMesh(core_axis_name="c", subcore_axis_name="s")

    @functools.partial(
        pl.kernel,
        out_type=jax.ShapeDtypeStruct((bn, 128), _f32),
        mesh=mesh,
        scratch_types=[
            pltpu.VMEM((nch, CH), jnp.int32),
            pltpu.VMEM((per_w, ADIM), _f32),
            pltpu.VMEM((zrows, ADIM), _f32),
            pltpu.VMEM_SHARED((bn, ADIM), _f32),
            pltpu.SemaphoreType.DMA,
            pltpu.SemaphoreType.DMA,
        ],
        compiler_params=_SC_PARAMS,
    )
    def scatter_kernel(msg_hbm, idx_hbm, out_hbm, idx_v, rows_v, zbuf, acc, sem, sem2):
        c = lax.axis_index("c")
        s = lax.axis_index("s")
        gid = c * NS + s

        cp_idx = pltpu.async_copy(idx_hbm.at[gid], idx_v, sem2)
        cp_msg = pltpu.async_copy(
            msg_hbm.at[pl.ds(gid * per_w, per_w), pl.ds(0, ADIM)], rows_v, sem
        )

        zero16 = jnp.zeros((16,), _f32)

        @pl.loop(0, zrows)
        def _(r):
            zbuf[r, pl.ds(0, 16)] = zero16
            zbuf[r, pl.ds(16, 16)] = zero16

        @pl.loop(0, rows_per_s // zrows)
        def _(i):
            pltpu.sync_copy(zbuf, acc.at[pl.ds(s * rows_per_s + i * zrows, zrows)])

        cp_idx.wait()
        cp_msg.wait()
        plsc.subcore_barrier()

        for j in range(nch):
            pltpu.sync_copy(
                rows_v.at[pl.ds(j * CH, CH)], acc.at[idx_v.at[j]], add=True
            )

        plsc.subcore_barrier()

        pltpu.sync_copy(
            acc.at[pl.ds(s * rows_per_s, rows_per_s)],
            out_hbm.at[pl.ds(s * rows_per_s, rows_per_s), pl.ds(c * ADIM, ADIM)],
        )

    return scatter_kernel


def _msg_body(bond_ref, src_ref, erep_ref, bt2_ref, out_ref):
    bond = bond_ref[0].astype(jnp.bfloat16)
    src = src_ref[:, :ADIM].astype(jnp.bfloat16)
    brep = jnp.dot(bond, erep_ref[...], preferred_element_type=_f32).astype(jnp.bfloat16)
    tiled = jnp.concatenate([src] * BDIM, axis=1)
    w = brep * tiled
    out_ref[:, :ADIM] = jnp.dot(w, bt2_ref[...], preferred_element_type=_f32)


def _messages(bond_features, src_atoms, erep, bt2):
    b, e, _ = bond_features.shape
    be = b * e
    rb = 8192
    npb = e // rb
    return pl.pallas_call(
        _msg_body,
        grid=(be // rb,),
        in_specs=[
            pl.BlockSpec((1, rb, BDIM), lambda i: (i // npb, i % npb, 0)),
            pl.BlockSpec((rb, 128), lambda i: (i, 0)),
            pl.BlockSpec((BDIM, BDIM * ADIM), lambda i: (0, 0)),
            pl.BlockSpec((BDIM * ADIM, ADIM), lambda i: (0, 0)),
        ],
        out_specs=pl.BlockSpec((rb, 128), lambda i: (i, 0)),
        out_shape=jax.ShapeDtypeStruct((be, 128), _f32),
    )(bond_features, src_atoms, erep, bt2)


def _gru_body(p_ref, h_ref, wcat_ref, grkh_ref, bsum_ref, b1h_ref, out_ref):
    p = p_ref[...]
    x = p[:, :ADIM] + p[:, ADIM:2 * ADIM]
    h = h_ref[0]
    d = ADIM
    xh = jnp.concatenate([x, h], axis=1)
    m = jnp.dot(xh, wcat_ref[...], preferred_element_type=_f32) + bsum_ref[0:1, :]
    mih = jnp.dot(h, grkh_ref[...], preferred_element_type=_f32) + b1h_ref[0:1, :]
    z = jax.nn.sigmoid(m[:, :d])
    r = jax.nn.sigmoid(m[:, d:2 * d])
    hh = jnp.tanh(m[:, 2 * d:] + (r - 1.0) * mih)
    out_ref[0] = z * h + (1.0 - z) * hh


def _gru(partials, atom_features, gk, grk, bias):
    b, n, _ = atom_features.shape
    bn = b * n
    rb = 4096
    npb = n // rb
    wcat = jnp.concatenate([gk, grk], axis=0)
    grkh = grk[:, 2 * ADIM:]
    bsum = (bias[0] + bias[1]).reshape(1, 3 * ADIM)
    b1h = bias[1, 2 * ADIM:].reshape(1, ADIM)
    return pl.pallas_call(
        _gru_body,
        grid=(bn // rb,),
        in_specs=[
            pl.BlockSpec((rb, 128), lambda i: (i, 0)),
            pl.BlockSpec((1, rb, ADIM), lambda i: (i // npb, i % npb, 0)),
            pl.BlockSpec((2 * ADIM, 3 * ADIM), lambda i: (0, 0)),
            pl.BlockSpec((ADIM, ADIM), lambda i: (0, 0)),
            pl.BlockSpec((1, 3 * ADIM), lambda i: (0, 0)),
            pl.BlockSpec((1, ADIM), lambda i: (0, 0)),
        ],
        out_specs=pl.BlockSpec((1, rb, ADIM), lambda i: (i // npb, i % npb, 0)),
        out_shape=jax.ShapeDtypeStruct((b, n, ADIM), _f32),
    )(partials, atom_features, wcat, grkh, bsum, b1h)


def kernel(atom_features, bond_features, bond_transform, gru_kernel,
           gru_recurrent_kernel, gru_bias, connectivity):
    b, n, d = atom_features.shape
    e = bond_features.shape[1]
    bn, be = b * n, b * e

    atom_flat = atom_features.reshape(bn, d)

    offs = (jnp.arange(b, dtype=jnp.int32) * n)[:, None, None]
    gboth = (connectivity + offs).transpose(2, 0, 1).reshape(2, NW, be // NW // CH, CH)
    gsrc = gboth[0]
    gtgt = gboth[1]

    src_atoms = _make_gather(bn, be)(atom_flat, gsrc)

    erep = jnp.repeat(jnp.eye(BDIM, dtype=jnp.bfloat16), ADIM, axis=1)
    bt2 = bond_transform.reshape(BDIM * ADIM, ADIM).astype(jnp.bfloat16)
    msgs = _messages(bond_features, src_atoms, erep, bt2)

    partials = _make_scatter(bn, be)(msgs, gtgt)

    return _gru(partials, atom_features,
                gru_kernel, gru_recurrent_kernel, gru_bias)

# --- scband reference (transcript-rebuilt; emitter-appended) ---
"""Pipeline reference for scband-message-passing-76647986364765 (READ-ONLY COPY).

The authoritative reference and input builder live on the scoring server;
editing this copy changes nothing except your own understanding.
"""

import jax, jax.numpy as jnp
import numpy as np

ATOM_DIM = 32
BOND_DIM = 16
B, N, E = 4, 4096, 8192

def setup_inputs(seed: int = 0) -> dict:
    key = jax.random.key(seed)
    k1, k2, k3, k4, k5, k6, k7 = jax.random.split(key, 7)
    atom_features = jax.random.normal(k1, (B, N, ATOM_DIM), dtype=jnp.float32)
    bond_features = jax.random.normal(k2, (B, E, BOND_DIM), dtype=jnp.float32)
    connectivity = jax.random.randint(k3, (B, E, 2), 0, N, dtype=jnp.int32)
    # learned params
    bond_transform = jax.random.normal(k4, (BOND_DIM, ATOM_DIM * ATOM_DIM), dtype=jnp.float32) * 0.05
    gru_kernel = jax.random.normal(k5, (ATOM_DIM, 3 * ATOM_DIM), dtype=jnp.float32) * 0.1
    gru_recurrent_kernel = jax.random.normal(k6, (ATOM_DIM, 3 * ATOM_DIM), dtype=jnp.float32) * 0.1
    gru_bias = jnp.zeros((2, 3 * ATOM_DIM), dtype=jnp.float32)
    return {"atom_features": atom_features, "bond_features": bond_features,
            "bond_transform": bond_transform, "gru_kernel": gru_kernel,
            "gru_recurrent_kernel": gru_recurrent_kernel, "gru_bias": gru_bias,
            "connectivity": connectivity}

def _gru_step(x, h, kernel, rec_kernel, bias):
    # Keras GRU (reset_after=True), single timestep
    d = h.shape[-1]
    matrix_x = x @ kernel + bias[0]
    x_z, x_r, x_h = matrix_x[:, :d], matrix_x[:, d:2*d], matrix_x[:, 2*d:]
    matrix_inner = h @ rec_kernel + bias[1]
    r_z, r_r, r_h = matrix_inner[:, :d], matrix_inner[:, d:2*d], matrix_inner[:, 2*d:]
    z = jax.nn.sigmoid(x_z + r_z)
    r = jax.nn.sigmoid(x_r + r_r)
    hh = jnp.tanh(x_h + r * r_h)
    return z * h + (1.0 - z) * hh

def reference(atom_features, bond_features, bond_transform, gru_kernel,
              gru_recurrent_kernel, gru_bias, connectivity):
    b, n, d = atom_features.shape
    bt = bond_transform.reshape(BOND_DIM, d, d)
    # bond_weights[b,e,l,m] = sum_d bond_features[b,e,d] * bt[d,l,m]
    bond_weights = jnp.einsum('bed,dlm->belm', bond_features, bt)
    src_idx = connectivity[:, :, 0]
    src_atoms = jnp.take_along_axis(atom_features, src_idx[:, :, None], axis=1)
    messages = jnp.einsum('belm,bel->bem', bond_weights, src_atoms)
    tgt_idx = connectivity[:, :, 1]
    batch_idx = jnp.arange(b, dtype=jnp.int32)[:, None]
    aggregated = jnp.zeros((b, n, d), dtype=jnp.float32).at[batch_idx, tgt_idx].add(messages)
    atom_flat = atom_features.reshape(-1, d)
    msg_flat = aggregated.reshape(-1, d)
    updated_flat = _gru_step(msg_flat, atom_flat, gru_kernel, gru_recurrent_kernel, gru_bias)
    return updated_flat.reshape(b, n, d)

if __name__ == "__main__":
    import jax
    _d = setup_inputs()
    print(jax.jit(kernel)(*tuple(_d.values())))

</pallas_src>

<mosaic_0001>
#map = affine_map<(d0, d1) -> (0, 0)>
#map1 = affine_map<(d0, d1) -> (0, 0, 0)>
module attributes {stable_mosaic.version = 14 : i64} {
  func.func @scatter_kernel(%arg0: i32, %arg1: i32, %arg2: memref<32768x128xf32, #tpu.memory_space<hbm>>, %arg3: memref<32x8x128xi32, #tpu.memory_space<hbm>>, %arg4: memref<16384x128xf32, #tpu.memory_space<hbm>>, %arg5: memref<8x128xi32, #tpu.memory_space<vmem>>, %arg6: memref<1024x32xf32, #tpu.memory_space<vmem>>, %arg7: memref<64x32xf32, #tpu.memory_space<vmem>>, %arg8: memref<16384x32xf32, #tpu.memory_space<vmem_shared>>, %arg9: memref<!tpu.dma_semaphore, #tpu.memory_space<semaphore_mem>>, %arg10: memref<!tpu.dma_semaphore, #tpu.memory_space<semaphore_mem>>) attributes {dimension_semantics = [#tpu.dimension_semantics<core_parallel>, #tpu.dimension_semantics<subcore_parallel>], iteration_bounds = array<i64: 2, 16>, scalar_prefetch = 0 : i64, scratch_operands = 6 : i64, tpu.core_type = #tpu.core_type<sc_vector_subcore>, window_params = [{transform_indices = #map}, {transform_indices = #map1}, {transform_indices = #map}]} {
    %mul3A = arith.constant 16 : i32
    %mul3A_0 = arith.muli %arg0, %mul3A : i32
    %add3A = arith.addi %mul3A_0, %arg1 : i32
    %dma_start3A = arith.constant 0 : i32
    %dma_start3A_1 = arith.constant 0 : i32
    %dma_start3A_2 = tpu.memref_slice %arg3[%add3A, %dma_start3A, %dma_start3A_1] : memref<32x8x128xi32, #tpu.memory_space<hbm>> -> memref<1x8x128xi32, #tpu.memory_space<hbm>>
    %dma_start3A_3 = tpu.memref_squeeze %dma_start3A_2 : memref<1x8x128xi32, #tpu.memory_space<hbm>> -> memref<8x128xi32, #tpu.memory_space<hbm>>
    %dma_start3A_4 = arith.constant 0 : i32
    %dma_start3A_5 = arith.constant 0 : i32
    %dma_start3A_6 = tpu.memref_slice %arg3[%add3A, %dma_start3A_4, %dma_start3A_5] : memref<32x8x128xi32, #tpu.memory_space<hbm>> -> memref<1x8x128xi32, #tpu.memory_space<hbm>>
    %dma_start3A_7 = tpu.memref_squeeze %dma_start3A_6 : memref<1x8x128xi32, #tpu.memory_space<hbm>> -> memref<8x128xi32, #tpu.memory_space<hbm>>
    tpu.enqueue_dma source(%dma_start3A_7 : memref<8x128xi32, #tpu.memory_space<hbm>>) target(%arg5 : memref<8x128xi32, #tpu.memory_space<vmem>>) target_semaphore(%arg10 : memref<!tpu.dma_semaphore, #tpu.memory_space<semaphore_mem>>)
    %mul3A_8 = arith.constant 1024 : i32
    %mul3A_9 = arith.muli %add3A, %mul3A_8 : i32
    %dma_start3A_10 = arith.constant 0 : i32
    %dma_start3A_11 = tpu.memref_slice %arg2[%mul3A_9, %dma_start3A_10] : memref<32768x128xf32, #tpu.memory_space<hbm>> -> memref<1024x32xf32, #tpu.memory_space<hbm>>
    %dma_start3A_12 = arith.constant 0 : i32
    %dma_start3A_13 = tpu.memref_slice %arg2[%mul3A_9, %dma_start3A_12] : memref<32768x128xf32, #tpu.memory_space<hbm>> -> memref<1024x32xf32, #tpu.memory_space<hbm>>
    tpu.enqueue_dma source(%dma_start3A_13 : memref<1024x32xf32, #tpu.memory_space<hbm>>) target(%arg6 : memref<1024x32xf32, #tpu.memory_space<vmem>>) target_semaphore(%arg9 : memref<!tpu.dma_semaphore, #tpu.memory_space<semaphore_mem>>)
    %broadcast_in_dim3A = arith.constant 0.000000e+00 : f32
    %broadcast_in_dim3A_14 = vector.broadcast %broadcast_in_dim3A : f32 to vector<16xf32>
    %scan3A = arith.constant 0 : i32
    %scan3A_15 = arith.constant 64 : i32
    %scan3A_16 = arith.addi %scan3A, %scan3A_15 : i32
    %scan3A_17 = arith.constant 1 : i32
    scf.for %scan3A_49 = %scan3A to %scan3A_16 step %scan3A_17  : i32 {
      %mul3A_50 = arith.constant 1 : i32
      %mul3A_51 = arith.muli %scan3A_49, %mul3A_50 : i32
      %add3A_52 = arith.constant 0 : i32
      %add3A_53 = arith.addi %add3A_52, %mul3A_51 : i32
      %swap3A = arith.index_cast %add3A_53 : i32 to index
      %swap3A_54 = arith.constant 0 : index
      %swap3A_55 = tpu.vector_load %arg7[%swap3A, %swap3A_54] {strides = array<i32>} : memref<64x32xf32, #tpu.memory_space<vmem>>, vector<1x16xf32>,
      %swap3A_56 = vector.shape_cast %swap3A_55 : vector<1x16xf32> to vector<16xf32>
      %swap3A_57 = vector.shape_cast %broadcast_in_dim3A_14 : vector<16xf32> to vector<1x16xf32>
      tpu.vector_store %arg7[%swap3A, %swap3A_54], %swap3A_57 {strides = array<i32>} : memref<64x32xf32, #tpu.memory_space<vmem>>, vector<1x16xf32>,
      %swap3A_58 = arith.index_cast %add3A_53 : i32 to index
      %swap3A_59 = arith.constant 16 : index
      %swap3A_60 = tpu.vector_load %arg7[%swap3A_58, %swap3A_59] {strides = array<i32>} : memref<64x32xf32, #tpu.memory_space<vmem>>, vector<1x16xf32>,
      %swap3A_61 = vector.shape_cast %swap3A_60 : vector<1x16xf32> to vector<16xf32>
      %swap3A_62 = vector.shape_cast %broadcast_in_dim3A_14 : vector<16xf32> to vector<1x16xf32>
      tpu.vector_store %arg7[%swap3A_58, %swap3A_59], %swap3A_62 {strides = array<i32>} : memref<64x32xf32, #tpu.memory_space<vmem>>, vector<1x16xf32>,
    }
    %scan3A_18 = arith.constant 64 : i32
    %scan3A_19 = arith.constant 0 : i32
    %scan3A_20 = arith.constant 16 : i32
    %scan3A_21 = arith.addi %scan3A_19, %scan3A_20 : i32
    %scan3A_22 = arith.constant 1 : i32
    scf.for %scan3A_49 = %scan3A_19 to %scan3A_21 step %scan3A_22  : i32 {
      %mul3A_50 = arith.constant 1 : i32
      %mul3A_51 = arith.muli %scan3A_49, %mul3A_50 : i32
      %add3A_52 = arith.constant 0 : i32
      %add3A_53 = arith.addi %add3A_52, %mul3A_51 : i32
      %mul3A_54 = arith.constant 1024 : i32
      %mul3A_55 = arith.muli %arg1, %mul3A_54 : i32
      %mul3A_56 = arith.constant 64 : i32
      %mul3A_57 = arith.muli %add3A_53, %mul3A_56 : i32
      %add3A_58 = arith.addi %mul3A_55, %mul3A_57 : i32
      "tpu.region"() ({
        %run_scoped3A_59 = tpu.sem_alloc : memref<!tpu.dma_semaphore, #tpu.memory_space<semaphore_mem>>
        %dma_start3A_60 = arith.constant 0 : i32
        %dma_start3A_61 = tpu.memref_slice %arg8[%add3A_58, %dma_start3A_60] : memref<16384x32xf32, #tpu.memory_space<vmem_shared>> -> memref<64x32xf32, #tpu.memory_space<vmem_shared>>
        %dma_start3A_62 = arith.constant 0 : i32
        %dma_start3A_63 = tpu.memref_slice %arg8[%add3A_58, %dma_start3A_62] : memref<16384x32xf32, #tpu.memory_space<vmem_shared>> -> memref<64x32xf32, #tpu.memory_space<vmem_shared>>
        tpu.enqueue_dma source(%arg7 : memref<64x32xf32, #tpu.memory_space<vmem>>) target(%dma_start3A_63 : memref<64x32xf32, #tpu.memory_space<vmem_shared>>) target_semaphore(%run_scoped3A_59 : memref<!tpu.dma_semaphore, #tpu.memory_space<semaphore_mem>>)
        %dma_wait3A_64 = arith.constant 0 : i32
        %dma_wait3A_65 = tpu.memref_slice %arg8[%add3A_58, %dma_wait3A_64] : memref<16384x32xf32, #tpu.memory_space<vmem_shared>> -> memref<64x32xf32, #tpu.memory_space<vmem_shared>>
        %dma_wait3A_66 = arith.constant 0 : i32
        %dma_wait3A_67 = tpu.memref_slice %arg8[%add3A_58, %dma_wait3A_66] : memref<16384x32xf32, #tpu.memory_space<vmem_shared>> -> memref<64x32xf32, #tpu.memory_space<vmem_shared>>
        tpu.wait_dma2 semaphore(%run_scoped3A_59 : memref<!tpu.dma_semaphore, #tpu.memory_space<semaphore_mem>>) src(%arg7 : memref<64x32xf32, #tpu.memory_space<vmem>>) dst(%dma_wait3A_67 : memref<64x32xf32, #tpu.memory_space<vmem_shared>>)
        tpu.yield
      }) : () -> ()
    }
    %scan3A_23 = arith.constant 16 : i32
    %dma_wait3A = arith.constant 0 : i32
    %dma_wait3A_24 = arith.constant 0 : i32
    %dma_wait3A_25 = tpu.memref_slice %arg3[%add3A, %dma_wait3A, %dma_wait3A_24] : memref<32x8x128xi32, #tpu.memory_space<hbm>> -> memref<1x8x128xi32, #tpu.memory_space<hbm>>
    %dma_wait3A_26 = tpu.memref_squeeze %dma_wait3A_25 : memref<1x8x128xi32, #tpu.memory_space<hbm>> -> memref<8x128xi32, #tpu.memory_space<hbm>>
    %dma_wait3A_27 = arith.constant 0 : i32
    %dma_wait3A_28 = arith.constant 0 : i32
    %dma_wait3A_29 = tpu.memref_slice %arg3[%add3A, %dma_wait3A_27, %dma_wait3A_28] : memref<32x8x128xi32, #tpu.memory_space<hbm>> -> memref<1x8x128xi32, #tpu.memory_space<hbm>>
    %dma_wait3A_30 = tpu.memref_squeeze %dma_wait3A_29 : memref<1x8x128xi32, #tpu.memory_space<hbm>> -> memref<8x128xi32, #tpu.memory_space<hbm>>
    tpu.wait_dma2 semaphore(%arg10 : memref<!tpu.dma_semaphore, #tpu.memory_space<semaphore_mem>>) src(%dma_wait3A_30 : memref<8x128xi32, #tpu.memory_space<hbm>>) dst(%arg5 : memref<8x128xi32, #tpu.memory_space<vmem>>)
    %dma_wait3A_31 = arith.constant 0 : i32
    %dma_wait3A_32 = tpu.memref_slice %arg2[%mul3A_9, %dma_wait3A_31] : memref<32768x128xf32, #tpu.memory_space<hbm>> -> memref<1024x32xf32, #tpu.memory_space<hbm>>
    %dma_wait3A_33 = arith.constant 0 : i32
    %dma_wait3A_34 = tpu.memref_slice %arg2[%mul3A_9, %dma_wait3A_33] : memref<32768x128xf32, #tpu.memory_space<hbm>> -> memref<1024x32xf32, #tpu.memory_space<hbm>>
    tpu.wait_dma2 semaphore(%arg9 : memref<!tpu.dma_semaphore, #tpu.memory_space<semaphore_mem>>) src(%dma_wait3A_34 : memref<1024x32xf32, #tpu.memory_space<hbm>>) dst(%arg6 : memref<1024x32xf32, #tpu.memory_space<vmem>>)
    %barrier3A = arith.constant 0 : index
    tpu.barrier barrier_id(%barrier3A)
    %run_scoped3A = arith.constant 0 : i32
    "tpu.region"() ({
      %run_scoped3A_49 = tpu.sem_alloc : memref<!tpu.dma_semaphore, #tpu.memory_space<semaphore_mem>>
      %dma_start3A_50 = arith.constant 0 : i32
      %dma_start3A_51 = arith.constant 0 : i32
      %dma_start3A_52 = tpu.memref_slice %arg6[%dma_start3A_50, %dma_start3A_51] : memref<1024x32xf32, #tpu.memory_space<vmem>> -> memref<128x32xf32, #tpu.memory_space<vmem>>
      %dma_start3A_53 = arith.constant 0 : i32
      %dma_start3A_54 = tpu.memref_slice %arg5[%run_scoped3A, %dma_start3A_53] : memref<8x128xi32, #tpu.memory_space<vmem>> -> memref<1x128xi32, #tpu.memory_space<vmem>>
      %dma_start3A_55 = tpu.memref_squeeze %dma_start3A_54 : memref<1x128xi32, #tpu.memory_space<vmem>> -> memref<128xi32, #tpu.memory_space<vmem>>
      %dma_start3A_56 = arith.constant 0 : i32
      %dma_start3A_57 = arith.constant 0 : i32
      %dma_start3A_58 = tpu.memref_slice %arg8[%dma_start3A_56, %dma_start3A_57] : memref<16384x32xf32, #tpu.memory_space<vmem_shared>> -> memref<16384x32xf32, #tpu.memory_space<vmem_shared>>
      tpu.enqueue_indirect_dma source(%dma_start3A_52 : memref<128x32xf32, #tpu.memory_space<vmem>>) target(%dma_start3A_58 : memref<16384x32xf32, #tpu.memory_space<vmem_shared>>) offsets(%dma_start3A_55 : memref<128xi32, #tpu.memory_space<vmem>>) semaphore(%run_scoped3A_49 : memref<!tpu.dma_semaphore, #tpu.memory_space<semaphore_mem>>) {add = true}
      %dma_wait3A_59 = arith.constant 0 : i32
      %dma_wait3A_60 = arith.constant 0 : i32
      %dma_wait3A_61 = tpu.memref_slice %arg6[%dma_wait3A_59, %dma_wait3A_60] : memref<1024x32xf32, #tpu.memory_space<vmem>> -> memref<128x32xf32, #tpu.memory_space<vmem>>
      %dma_wait3A_62 = arith.constant 0 : i32
      %dma_wait3A_63 = tpu.memref_slice %arg5[%run_scoped3A, %dma_wait3A_62] : memref<8x128xi32, #tpu.memory_space<vmem>> -> memref<1x128xi32, #tpu.memory_space<vmem>>
      %dma_wait3A_64 = tpu.memref_squeeze %dma_wait3A_63 : memref<1x128xi32, #tpu.memory_space<vmem>> -> memref<128xi32, #tpu.memory_space<vmem>>
      %dma_wait3A_65 = arith.constant 0 : i32
      %dma_wait3A_66 = arith.constant 0 : i32
      %dma_wait3A_67 = tpu.memref_slice %arg8[%dma_wait3A_65, %dma_wait3A_66] : memref<16384x32xf32, #tpu.memory_space<vmem_shared>> -> memref<16384x32xf32, #tpu.memory_space<vmem_shared>>
      tpu.wait_indirect_dma semaphore(%run_scoped3A_49 : memref<!tpu.dma_semaphore, #tpu.memory_space<semaphore_mem>>) src(%dma_wait3A_61 : memref<128x32xf32, #tpu.memory_space<vmem>>) dst(%dma_wait3A_67 : memref<16384x32xf32, #tpu.memory_space<vmem_shared>>)
      tpu.yield
    }) : () -> ()
    %run_scoped3A_35 = arith.constant 1 : i32
    "tpu.region"() ({
      %run_scoped3A_49 = tpu.sem_alloc : memref<!tpu.dma_semaphore, #tpu.memory_space<semaphore_mem>>
      %dma_start3A_50 = arith.constant 128 : i32
      %dma_start3A_51 = arith.constant 0 : i32
      %dma_start3A_52 = tpu.memref_slice %arg6[%dma_start3A_50, %dma_start3A_51] : memref<1024x32xf32, #tpu.memory_space<vmem>> -> memref<128x32xf32, #tpu.memory_space<vmem>>
      %dma_start3A_53 = arith.constant 0 : i32
      %dma_start3A_54 = tpu.memref_slice %arg5[%run_scoped3A_35, %dma_start3A_53] : memref<8x128xi32, #tpu.memory_space<vmem>> -> memref<1x128xi32, #tpu.memory_space<vmem>>
      %dma_start3A_55 = tpu.memref_squeeze %dma_start3A_54 : memref<1x128xi32, #tpu.memory_space<vmem>> -> memref<128xi32, #tpu.memory_space<vmem>>
      %dma_start3A_56 = arith.constant 0 : i32
      %dma_start3A_57 = arith.constant 0 : i32
      %dma_start3A_58 = tpu.memref_slice %arg8[%dma_start3A_56, %dma_start3A_57] : memref<16384x32xf32, #tpu.memory_space<vmem_shared>> -> memref<16384x32xf32, #tpu.memory_space<vmem_shared>>
      tpu.enqueue_indirect_dma source(%dma_start3A_52 : memref<128x32xf32, #tpu.memory_space<vmem>>) target(%dma_start3A_58 : memref<16384x32xf32, #tpu.memory_space<vmem_shared>>) offsets(%dma_start3A_55 : memref<128xi32, #tpu.memory_space<vmem>>) semaphore(%run_scoped3A_49 : memref<!tpu.dma_semaphore, #tpu.memory_space<semaphore_mem>>) {add = true}
      %dma_wait3A_59 = arith.constant 128 : i32
      %dma_wait3A_60 = arith.constant 0 : i32
      %dma_wait3A_61 = tpu.memref_slice %arg6[%dma_wait3A_59, %dma_wait3A_60] : memref<1024x32xf32, #tpu.memory_space<vmem>> -> memref<128x32xf32, #tpu.memory_space<vmem>>
      %dma_wait3A_62 = arith.constant 0 : i32
      %dma_wait3A_63 = tpu.memref_slice %arg5[%run_scoped3A_35, %dma_wait3A_62] : memref<8x128xi32, #tpu.memory_space<vmem>> -> memref<1x128xi32, #tpu.memory_space<vmem>>
      %dma_wait3A_64 = tpu.memref_squeeze %dma_wait3A_63 : memref<1x128xi32, #tpu.memory_space<vmem>> -> memref<128xi32, #tpu.memory_space<vmem>>
      %dma_wait3A_65 = arith.constant 0 : i32
      %dma_wait3A_66 = arith.constant 0 : i32
      %dma_wait3A_67 = tpu.memref_slice %arg8[%dma_wait3A_65, %dma_wait3A_66] : memref<16384x32xf32, #tpu.memory_space<vmem_shared>> -> memref<16384x32xf32, #tpu.memory_space<vmem_shared>>
      tpu.wait_indirect_dma semaphore(%run_scoped3A_49 : memref<!tpu.dma_semaphore, #tpu.memory_space<semaphore_mem>>) src(%dma_wait3A_61 : memref<128x32xf32, #tpu.memory_space<vmem>>) dst(%dma_wait3A_67 : memref<16384x32xf32, #tpu.memory_space<vmem_shared>>)
      tpu.yield
    }) : () -> ()
    %run_scoped3A_36 = arith.constant 2 : i32
    "tpu.region"() ({
      %run_scoped3A_49 = tpu.sem_alloc : memref<!tpu.dma_semaphore, #tpu.memory_space<semaphore_mem>>
      %dma_start3A_50 = arith.constant 256 : i32
      %dma_start3A_51 = arith.constant 0 : i32
      %dma_start3A_52 = tpu.memref_slice %arg6[%dma_start3A_50, %dma_start3A_51] : memref<1024x32xf32, #tpu.memory_space<vmem>> -> memref<128x32xf32, #tpu.memory_space<vmem>>
      %dma_start3A_53 = arith.constant 0 : i32
      %dma_start3A_54 = tpu.memref_slice %arg5[%run_scoped3A_36, %dma_start3A_53] : memref<8x128xi32, #tpu.memory_space<vmem>> -> memref<1x128xi32, #tpu.memory_space<vmem>>
      %dma_start3A_55 = tpu.memref_squeeze %dma_start3A_54 : memref<1x128xi32, #tpu.memory_space<vmem>> -> memref<128xi32, #tpu.memory_space<vmem>>
      %dma_start3A_56 = arith.constant 0 : i32
      %dma_start3A_57 = arith.constant 0 : i32
      %dma_start3A_58 = tpu.memref_slice %arg8[%dma_start3A_56, %dma_start3A_57] : memref<16384x32xf32, #tpu.memory_space<vmem_shared>> -> memref<16384x32xf32, #tpu.memory_space<vmem_shared>>
      tpu.enqueue_indirect_dma source(%dma_start3A_52 : memref<128x32xf32, #tpu.memory_space<vmem>>) target(%dma_start3A_58 : memref<16384x32xf32, #tpu.memory_space<vmem_shared>>) offsets(%dma_start3A_55 : memref<128xi32, #tpu.memory_space<vmem>>) semaphore(%run_scoped3A_49 : memref<!tpu.dma_semaphore, #tpu.memory_space<semaphore_mem>>) {add = true}
      %dma_wait3A_59 = arith.constant 256 : i32
      %dma_wait3A_60 = arith.constant 0 : i32
      %dma_wait3A_61 = tpu.memref_slice %arg6[%dma_wait3A_59, %dma_wait3A_60] : memref<1024x32xf32, #tpu.memory_space<vmem>> -> memref<128x32xf32, #tpu.memory_space<vmem>>
      %dma_wait3A_62 = arith.constant 0 : i32
      %dma_wait3A_63 = tpu.memref_slice %arg5[%run_scoped3A_36, %dma_wait3A_62] : memref<8x128xi32, #tpu.memory_space<vmem>> -> memref<1x128xi32, #tpu.memory_space<vmem>>
      %dma_wait3A_64 = tpu.memref_squeeze %dma_wait3A_63 : memref<1x128xi32, #tpu.memory_space<vmem>> -> memref<128xi32, #tpu.memory_space<vmem>>
      %dma_wait3A_65 = arith.constant 0 : i32
      %dma_wait3A_66 = arith.constant 0 : i32
      %dma_wait3A_67 = tpu.memref_slice %arg8[%dma_wait3A_65, %dma_wait3A_66] : memref<16384x32xf32, #tpu.memory_space<vmem_shared>> -> memref<16384x32xf32, #tpu.memory_space<vmem_shared>>
      tpu.wait_indirect_dma semaphore(%run_scoped3A_49 : memref<!tpu.dma_semaphore, #tpu.memory_space<semaphore_mem>>) src(%dma_wait3A_61 : memref<128x32xf32, #tpu.memory_space<vmem>>) dst(%dma_wait3A_67 : memref<16384x32xf32, #tpu.memory_space<vmem_shared>>)
      tpu.yield
    }) : () -> ()
    %run_scoped3A_37 = arith.constant 3 : i32
    "tpu.region"() ({
      %run_scoped3A_49 = tpu.sem_alloc : memref<!tpu.dma_semaphore, #tpu.memory_space<semaphore_mem>>
      %dma_start3A_50 = arith.constant 384 : i32
      %dma_start3A_51 = arith.constant 0 : i32
      %dma_start3A_52 = tpu.memref_slice %arg6[%dma_start3A_50, %dma_start3A_51] : memref<1024x32xf32, #tpu.memory_space<vmem>> -> memref<128x32xf32, #tpu.memory_space<vmem>>
      %dma_start3A_53 = arith.constant 0 : i32
      %dma_start3A_54 = tpu.memref_slice %arg5[%run_scoped3A_37, %dma_start3A_53] : memref<8x128xi32, #tpu.memory_space<vmem>> -> memref<1x128xi32, #tpu.memory_space<vmem>>
      %dma_start3A_55 = tpu.memref_squeeze %dma_start3A_54 : memref<1x128xi32, #tpu.memory_space<vmem>> -> memref<128xi32, #tpu.memory_space<vmem>>
      %dma_start3A_56 = arith.constant 0 : i32
      %dma_start3A_57 = arith.constant 0 : i32
      %dma_start3A_58 = tpu.memref_slice %arg8[%dma_start3A_56, %dma_start3A_57] : memref<16384x32xf32, #tpu.memory_space<vmem_shared>> -> memref<16384x32xf32, #tpu.memory_space<vmem_shared>>
      tpu.enqueue_indirect_dma source(%dma_start3A_52 : memref<128x32xf32, #tpu.memory_space<vmem>>) target(%dma_start3A_58 : memref<16384x32xf32, #tpu.memory_space<vmem_shared>>) offsets(%dma_start3A_55 : memref<128xi32, #tpu.memory_space<vmem>>) semaphore(%run_scoped3A_49 : memref<!tpu.dma_semaphore, #tpu.memory_space<semaphore_mem>>) {add = true}
      %dma_wait3A_59 = arith.constant 384 : i32
      %dma_wait3A_60 = arith.constant 0 : i32
      %dma_wait3A_61 = tpu.memref_slice %arg6[%dma_wait3A_59, %dma_wait3A_60] : memref<1024x32xf32, #tpu.memory_space<vmem>> -> memref<128x32xf32, #tpu.memory_space<vmem>>
      %dma_wait3A_62 = arith.constant 0 : i32
      %dma_wait3A_63 = tpu.memref_slice %arg5[%run_scoped3A_37, %dma_wait3A_62] : memref<8x128xi32, #tpu.memory_space<vmem>> -> memref<1x128xi32, #tpu.memory_space<vmem>>
      %dma_wait3A_64 = tpu.memref_squeeze %dma_wait3A_63 : memref<1x128xi32, #tpu.memory_space<vmem>> -> memref<128xi32, #tpu.memory_space<vmem>>
      %dma_wait3A_65 = arith.constant 0 : i32
      %dma_wait3A_66 = arith.constant 0 : i32
      %dma_wait3A_67 = tpu.memref_slice %arg8[%dma_wait3A_65, %dma_wait3A_66] : memref<16384x32xf32, #tpu.memory_space<vmem_shared>> -> memref<16384x32xf32, #tpu.memory_space<vmem_shared>>
      tpu.wait_indirect_dma semaphore(%run_scoped3A_49 : memref<!tpu.dma_semaphore, #tpu.memory_space<semaphore_mem>>) src(%dma_wait3A_61 : memref<128x32xf32, #tpu.memory_space<vmem>>) dst(%dma_wait3A_67 : memref<16384x32xf32, #tpu.memory_space<vmem_shared>>)
      tpu.yield
    }) : () -> ()
    %run_scoped3A_38 = arith.constant 4 : i32
    "tpu.region"() ({
      %run_scoped3A_49 = tpu.sem_alloc : memref<!tpu.dma_semaphore, #tpu.memory_space<semaphore_mem>>
      %dma_start3A_50 = arith.constant 512 : i32
      %dma_start3A_51 = arith.constant 0 : i32
      %dma_start3A_52 = tpu.memref_slice %arg6[%dma_start3A_50, %dma_start3A_51] : memref<1024x32xf32, #tpu.memory_space<vmem>> -> memref<128x32xf32, #tpu.memory_space<vmem>>
      %dma_start3A_53 = arith.constant 0 : i32
      %dma_start3A_54 = tpu.memref_slice %arg5[%run_scoped3A_38, %dma_start3A_53] : memref<8x128xi32, #tpu.memory_space<vmem>> -> memref<1x128xi32, #tpu.memory_space<vmem>>
      %dma_start3A_55 = tpu.memref_squeeze %dma_start3A_54 : memref<1x128xi32, #tpu.memory_space<vmem>> -> memref<128xi32, #tpu.memory_space<vmem>>
      %dma_start3A_56 = arith.constant 0 : i32
      %dma_start3A_57 = arith.constant 0 : i32
      %dma_start3A_58 = tpu.memref_slice %arg8[%dma_start3A_56, %dma_start3A_57] : memref<16384x32xf32, #tpu.memory_space<vmem_shared>> -> memref<16384x32xf32, #tpu.memory_space<vmem_shared>>
      tpu.enqueue_indirect_dma source(%dma_start3A_52 : memref<128x32xf32, #tpu.memory_space<vmem>>) target(%dma_start3A_58 : memref<16384x32xf32, #tpu.memory_space<vmem_shared>>) offsets(%dma_start3A_55 : memref<128xi32, #tpu.memory_space<vmem>>) semaphore(%run_scoped3A_49 : memref<!tpu.dma_semaphore, #tpu.memory_space<semaphore_mem>>) {add = true}
      %dma_wait3A_59 = arith.constant 512 : i32
      %dma_wait3A_60 = arith.constant 0 : i32
      %dma_wait3A_61 = tpu.memref_slice %arg6[%dma_wait3A_59, %dma_wait3A_60] : memref<1024x32xf32, #tpu.memory_space<vmem>> -> memref<128x32xf32, #tpu.memory_space<vmem>>
      %dma_wait3A_62 = arith.constant 0 : i32
      %dma_wait3A_63 = tpu.memref_slice %arg5[%run_scoped3A_38, %dma_wait3A_62] : memref<8x128xi32, #tpu.memory_space<vmem>> -> memref<1x128xi32, #tpu.memory_space<vmem>>
      %dma_wait3A_64 = tpu.memref_squeeze %dma_wait3A_63 : memref<1x128xi32, #tpu.memory_space<vmem>> -> memref<128xi32, #tpu.memory_space<vmem>>
      %dma_wait3A_65 = arith.constant 0 : i32
      %dma_wait3A_66 = arith.constant 0 : i32
      %dma_wait3A_67 = tpu.memref_slice %arg8[%dma_wait3A_65, %dma_wait3A_66] : memref<16384x32xf32, #tpu.memory_space<vmem_shared>> -> memref<16384x32xf32, #tpu.memory_space<vmem_shared>>
      tpu.wait_indirect_dma semaphore(%run_scoped3A_49 : memref<!tpu.dma_semaphore, #tpu.memory_space<semaphore_mem>>) src(%dma_wait3A_61 : memref<128x32xf32, #tpu.memory_space<vmem>>) dst(%dma_wait3A_67 : memref<16384x32xf32, #tpu.memory_space<vmem_shared>>)
      tpu.yield
    }) : () -> ()
    %run_scoped3A_39 = arith.constant 5 : i32
    "tpu.region"() ({
      %run_scoped3A_49 = tpu.sem_alloc : memref<!tpu.dma_semaphore, #tpu.memory_space<semaphore_mem>>
      %dma_start3A_50 = arith.constant 640 : i32
      %dma_start3A_51 = arith.constant 0 : i32
      %dma_start3A_52 = tpu.memref_slice %arg6[%dma_start3A_50, %dma_start3A_51] : memref<1024x32xf32, #tpu.memory_space<vmem>> -> memref<128x32xf32, #tpu.memory_space<vmem>>
      %dma_start3A_53 = arith.constant 0 : i32
      %dma_start3A_54 = tpu.memref_slice %arg5[%run_scoped3A_39, %dma_start3A_53] : memref<8x128xi32, #tpu.memory_space<vmem>> -> memref<1x128xi32, #tpu.memory_space<vmem>>
      %dma_start3A_55 = tpu.memref_squeeze %dma_start3A_54 : memref<1x128xi32, #tpu.memory_space<vmem>> -> memref<128xi32, #tpu.memory_space<vmem>>
      %dma_start3A_56 = arith.constant 0 : i32
      %dma_start3A_57 = arith.constant 0 : i32
      %dma_start3A_58 = tpu.memref_slice %arg8[%dma_start3A_56, %dma_start3A_57] : memref<16384x32xf32, #tpu.memory_space<vmem_shared>> -> memref<16384x32xf32, #tpu.memory_space<vmem_shared>>
      tpu.enqueue_indirect_dma source(%dma_start3A_52 : memref<128x32xf32, #tpu.memory_space<vmem>>) target(%dma_start3A_58 : memref<16384x32xf32, #tpu.memory_space<vmem_shared>>) offsets(%dma_start3A_55 : memref<128xi32, #tpu.memory_space<vmem>>) semaphore(%run_scoped3A_49 : memref<!tpu.dma_semaphore, #tpu.memory_space<semaphore_mem>>) {add = true}
      %dma_wait3A_59 = arith.constant 640 : i32
      %dma_wait3A_60 = arith.constant 0 : i32
      %dma_wait3A_61 = tpu.memref_slice %arg6[%dma_wait3A_59, %dma_wait3A_60] : memref<1024x32xf32, #tpu.memory_space<vmem>> -> memref<128x32xf32, #tpu.memory_space<vmem>>
      %dma_wait3A_62 = arith.constant 0 : i32
      %dma_wait3A_63 = tpu.memref_slice %arg5[%run_scoped3A_39, %dma_wait3A_62] : memref<8x128xi32, #tpu.memory_space<vmem>> -> memref<1x128xi32, #tpu.memory_space<vmem>>
      %dma_wait3A_64 = tpu.memref_squeeze %dma_wait3A_63 : memref<1x128xi32, #tpu.memory_space<vmem>> -> memref<128xi32, #tpu.memory_space<vmem>>
      %dma_wait3A_65 = arith.constant 0 : i32
      %dma_wait3A_66 = arith.constant 0 : i32
      %dma_wait3A_67 = tpu.memref_slice %arg8[%dma_wait3A_65, %dma_wait3A_66] : memref<16384x32xf32, #tpu.memory_space<vmem_shared>> -> memref<16384x32xf32, #tpu.memory_space<vmem_shared>>
      tpu.wait_indirect_dma semaphore(%run_scoped3A_49 : memref<!tpu.dma_semaphore, #tpu.memory_space<semaphore_mem>>) src(%dma_wait3A_61 : memref<128x32xf32, #tpu.memory_space<vmem>>) dst(%dma_wait3A_67 : memref<16384x32xf32, #tpu.memory_space<vmem_shared>>)
      tpu.yield
    }) : () -> ()
    %run_scoped3A_40 = arith.constant 6 : i32
    "tpu.region"() ({
      %run_scoped3A_49 = tpu.sem_alloc : memref<!tpu.dma_semaphore, #tpu.memory_space<semaphore_mem>>
      %dma_start3A_50 = arith.constant 768 : i32
      %dma_start3A_51 = arith.constant 0 : i32
      %dma_start3A_52 = tpu.memref_slice %arg6[%dma_start3A_50, %dma_start3A_51] : memref<1024x32xf32, #tpu.memory_space<vmem>> -> memref<128x32xf32, #tpu.memory_space<vmem>>
      %dma_start3A_53 = arith.constant 0 : i32
      %dma_start3A_54 = tpu.memref_slice %arg5[%run_scoped3A_40, %dma_start3A_53] : memref<8x128xi32, #tpu.memory_space<vmem>> -> memref<1x128xi32, #tpu.memory_space<vmem>>
      %dma_start3A_55 = tpu.memref_squeeze %dma_start3A_54 : memref<1x128xi32, #tpu.memory_space<vmem>> -> memref<128xi32, #tpu.memory_space<vmem>>
      %dma_start3A_56 = arith.constant 0 : i32
      %dma_start3A_57 = arith.constant 0 : i32
      %dma_start3A_58 = tpu.memref_slice %arg8[%dma_start3A_56, %dma_start3A_57] : memref<16384x32xf32, #tpu.memory_space<vmem_shared>> -> memref<16384x32xf32, #tpu.memory_space<vmem_shared>>
      tpu.enqueue_indirect_dma source(%dma_start3A_52 : memref<128x32xf32, #tpu.memory_space<vmem>>) target(%dma_start3A_58 : memref<16384x32xf32, #tpu.memory_space<vmem_shared>>) offsets(%dma_start3A_55 : memref<128xi32, #tpu.memory_space<vmem>>) semaphore(%run_scoped3A_49 : memref<!tpu.dma_semaphore, #tpu.memory_space<semaphore_mem>>) {add = true}
      %dma_wait3A_59 = arith.constant 768 : i32
      %dma_wait3A_60 = arith.constant 0 : i32
      %dma_wait3A_61 = tpu.memref_slice %arg6[%dma_wait3A_59, %dma_wait3A_60] : memref<1024x32xf32, #tpu.memory_space<vmem>> -> memref<128x32xf32, #tpu.memory_space<vmem>>
      %dma_wait3A_62 = arith.constant 0 : i32
      %dma_wait3A_63 = tpu.memref_slice %arg5[%run_scoped3A_40, %dma_wait3A_62] : memref<8x128xi32, #tpu.memory_space<vmem>> -> memref<1x128xi32, #tpu.memory_space<vmem>>
      %dma_wait3A_64 = tpu.memref_squeeze %dma_wait3A_63 : memref<1x128xi32, #tpu.memory_space<vmem>> -> memref<128xi32, #tpu.memory_space<vmem>>
      %dma_wait3A_65 = arith.constant 0 : i32
      %dma_wait3A_66 = arith.constant 0 : i32
      %dma_wait3A_67 = tpu.memref_slice %arg8[%dma_wait3A_65, %dma_wait3A_66] : memref<16384x32xf32, #tpu.memory_space<vmem_shared>> -> memref<16384x32xf32, #tpu.memory_space<vmem_shared>>
      tpu.wait_indirect_dma semaphore(%run_scoped3A_49 : memref<!tpu.dma_semaphore, #tpu.memory_space<semaphore_mem>>) src(%dma_wait3A_61 : memref<128x32xf32, #tpu.memory_space<vmem>>) dst(%dma_wait3A_67 : memref<16384x32xf32, #tpu.memory_space<vmem_shared>>)
      tpu.yield
    }) : () -> ()
    %run_scoped3A_41 = arith.constant 7 : i32
    "tpu.region"() ({
      %run_scoped3A_49 = tpu.sem_alloc : memref<!tpu.dma_semaphore, #tpu.memory_space<semaphore_mem>>
      %dma_start3A_50 = arith.constant 896 : i32
      %dma_start3A_51 = arith.constant 0 : i32
      %dma_start3A_52 = tpu.memref_slice %arg6[%dma_start3A_50, %dma_start3A_51] : memref<1024x32xf32, #tpu.memory_space<vmem>> -> memref<128x32xf32, #tpu.memory_space<vmem>>
      %dma_start3A_53 = arith.constant 0 : i32
      %dma_start3A_54 = tpu.memref_slice %arg5[%run_scoped3A_41, %dma_start3A_53] : memref<8x128xi32, #tpu.memory_space<vmem>> -> memref<1x128xi32, #tpu.memory_space<vmem>>
      %dma_start3A_55 = tpu.memref_squeeze %dma_start3A_54 : memref<1x128xi32, #tpu.memory_space<vmem>> -> memref<128xi32, #tpu.memory_space<vmem>>
      %dma_start3A_56 = arith.constant 0 : i32
      %dma_start3A_57 = arith.constant 0 : i32
      %dma_start3A_58 = tpu.memref_slice %arg8[%dma_start3A_56, %dma_start3A_57] : memref<16384x32xf32, #tpu.memory_space<vmem_shared>> -> memref<16384x32xf32, #tpu.memory_space<vmem_shared>>
      tpu.enqueue_indirect_dma source(%dma_start3A_52 : memref<128x32xf32, #tpu.memory_space<vmem>>) target(%dma_start3A_58 : memref<16384x32xf32, #tpu.memory_space<vmem_shared>>) offsets(%dma_start3A_55 : memref<128xi32, #tpu.memory_space<vmem>>) semaphore(%run_scoped3A_49 : memref<!tpu.dma_semaphore, #tpu.memory_space<semaphore_mem>>) {add = true}
      %dma_wait3A_59 = arith.constant 896 : i32
      %dma_wait3A_60 = arith.constant 0 : i32
      %dma_wait3A_61 = tpu.memref_slice %arg6[%dma_wait3A_59, %dma_wait3A_60] : memref<1024x32xf32, #tpu.memory_space<vmem>> -> memref<128x32xf32, #tpu.memory_space<vmem>>
      %dma_wait3A_62 = arith.constant 0 : i32
      %dma_wait3A_63 = tpu.memref_slice %arg5[%run_scoped3A_41, %dma_wait3A_62] : memref<8x128xi32, #tpu.memory_space<vmem>> -> memref<1x128xi32, #tpu.memory_space<vmem>>
      %dma_wait3A_64 = tpu.memref_squeeze %dma_wait3A_63 : memref<1x128xi32, #tpu.memory_space<vmem>> -> memref<128xi32, #tpu.memory_space<vmem>>
      %dma_wait3A_65 = arith.constant 0 : i32
      %dma_wait3A_66 = arith.constant 0 : i32
      %dma_wait3A_67 = tpu.memref_slice %arg8[%dma_wait3A_65, %dma_wait3A_66] : memref<16384x32xf32, #tpu.memory_space<vmem_shared>> -> memref<16384x32xf32, #tpu.memory_space<vmem_shared>>
      tpu.wait_indirect_dma semaphore(%run_scoped3A_49 : memref<!tpu.dma_semaphore, #tpu.memory_space<semaphore_mem>>) src(%dma_wait3A_61 : memref<128x32xf32, #tpu.memory_space<vmem>>) dst(%dma_wait3A_67 : memref<16384x32xf32, #tpu.memory_space<vmem_shared>>)
      tpu.yield
    }) : () -> ()
    %barrier3A_42 = arith.constant 0 : index
    tpu.barrier barrier_id(%barrier3A_42)
    %mul3A_43 = arith.constant 1024 : i32
    %mul3A_44 = arith.muli %arg1, %mul3A_43 : i32
    %mul3A_45 = arith.constant 1024 : i32
    %mul3A_46 = arith.muli %arg1, %mul3A_45 : i32
    %mul3A_47 = arith.constant 32 : i32
    %mul3A_48 = arith.muli %arg0, %mul3A_47 : i32
    "tpu.region"() ({
      %run_scoped3A_49 = tpu.sem_alloc : memref<!tpu.dma_semaphore, #tpu.memory_space<semaphore_mem>>
      %dma_start3A_50 = tpu.memref_slice %arg4[%mul3A_46, %mul3A_48] : memref<16384x128xf32, #tpu.memory_space<hbm>> -> memref<1024x32xf32, #tpu.memory_space<hbm>>
      %dma_start3A_51 = arith.constant 0 : i32
      %dma_start3A_52 = tpu.memref_slice %arg8[%mul3A_44, %dma_start3A_51] : memref<16384x32xf32, #tpu.memory_space<vmem_shared>> -> memref<1024x32xf32, #tpu.memory_space<vmem_shared>>
      tpu.enqueue_dma source(%dma_start3A_52 : memref<1024x32xf32, #tpu.memory_space<vmem_shared>>) target(%dma_start3A_50 : memref<1024x32xf32, #tpu.memory_space<hbm>>) target_semaphore(%run_scoped3A_49 : memref<!tpu.dma_semaphore, #tpu.memory_space<semaphore_mem>>)
      %dma_wait3A_53 = tpu.memref_slice %arg4[%mul3A_46, %mul3A_48] : memref<16384x128xf32, #tpu.memory_space<hbm>> -> memref<1024x32xf32, #tpu.memory_space<hbm>>
      %dma_wait3A_54 = arith.constant 0 : i32
      %dma_wait3A_55 = tpu.memref_slice %arg8[%mul3A_44, %dma_wait3A_54] : memref<16384x32xf32, #tpu.memory_space<vmem_shared>> -> memref<1024x32xf32, #tpu.memory_space<vmem_shared>>
      tpu.wait_dma2 semaphore(%run_scoped3A_49 : memref<!tpu.dma_semaphore, #tpu.memory_space<semaphore_mem>>) src(%dma_wait3A_55 : memref<1024x32xf32, #tpu.memory_space<vmem_shared>>) dst(%dma_wait3A_53 : memref<1024x32xf32, #tpu.memory_space<hbm>>)
      tpu.yield
    }) : () -> ()
    return
  }
}

#map = affine_map<(d0, d1) -> (0, 0)>
#map1 = affine_map<(d0, d1) -> (0, 0, 0)>
module attributes {stable_mosaic.version = 14 : i64} {
  func.func @gather_kernel(%arg0: i32, %arg1: i32, %arg2: memref<16384x32xf32, #tpu.memory_space<hbm>>, %arg3: memref<32x8x128xi32, #tpu.memory_space<hbm>>, %arg4: memref<32768x128xf32, #tpu.memory_space<hbm>>, %arg5: memref<8x128xi32, #tpu.memory_space<vmem>>, %arg6: memref<1024x32xf32, #tpu.memory_space<vmem>>, %arg7: memref<!tpu.dma_semaphore, #tpu.memory_space<semaphore_mem>>) attributes {dimension_semantics = [#tpu.dimension_semantics<core_parallel>, #tpu.dimension_semantics<subcore_parallel>], iteration_bounds = array<i64: 2, 16>, scalar_prefetch = 0 : i64, scratch_operands = 3 : i64, tpu.core_type = #tpu.core_type<sc_vector_subcore>, window_params = [{transform_indices = #map}, {transform_indices = #map1}, {transform_indices = #map}]} {
    %mul3A = arith.constant 2 : i32
    %mul3A_0 = arith.muli %arg1, %mul3A : i32
    %add3A = arith.addi %mul3A_0, %arg0 : i32
    "tpu.region"() ({
      %run_scoped3A = tpu.sem_alloc : memref<!tpu.dma_semaphore, #tpu.memory_space<semaphore_mem>>
      %dma_start3A_161 = arith.constant 0 : i32
      %dma_start3A_162 = arith.constant 0 : i32
      %dma_start3A_163 = tpu.memref_slice %arg3[%add3A, %dma_start3A_161, %dma_start3A_162] : memref<32x8x128xi32, #tpu.memory_space<hbm>> -> memref<1x8x128xi32, #tpu.memory_space<hbm>>
      %dma_start3A_164 = tpu.memref_squeeze %dma_start3A_163 : memref<1x8x128xi32, #tpu.memory_space<hbm>> -> memref<8x128xi32, #tpu.memory_space<hbm>>
      %dma_start3A_165 = arith.constant 0 : i32
      %dma_start3A_166 = arith.constant 0 : i32
      %dma_start3A_167 = tpu.memref_slice %arg3[%add3A, %dma_start3A_165, %dma_start3A_166] : memref<32x8x128xi32, #tpu.memory_space<hbm>> -> memref<1x8x128xi32, #tpu.memory_space<hbm>>
      %dma_start3A_168 = tpu.memref_squeeze %dma_start3A_167 : memref<1x8x128xi32, #tpu.memory_space<hbm>> -> memref<8x128xi32, #tpu.memory_space<hbm>>
      tpu.enqueue_dma source(%dma_start3A_168 : memref<8x128xi32, #tpu.memory_space<hbm>>) target(%arg5 : memref<8x128xi32, #tpu.memory_space<vmem>>) target_semaphore(%run_scoped3A : memref<!tpu.dma_semaphore, #tpu.memory_space<semaphore_mem>>)
      %dma_wait3A_169 = arith.constant 0 : i32
      %dma_wait3A_170 = arith.constant 0 : i32
      %dma_wait3A_171 = tpu.memref_slice %arg3[%add3A, %dma_wait3A_169, %dma_wait3A_170] : memref<32x8x128xi32, #tpu.memory_space<hbm>> -> memref<1x8x128xi32, #tpu.memory_space<hbm>>
      %dma_wait3A_172 = tpu.memref_squeeze %dma_wait3A_171 : memref<1x8x128xi32, #tpu.memory_space<hbm>> -> memref<8x128xi32, #tpu.memory_space<hbm>>
      %dma_wait3A_173 = arith.constant 0 : i32
      %dma_wait3A_174 = arith.constant 0 : i32
      %dma_wait3A_175 = tpu.memref_slice %arg3[%add3A, %dma_wait3A_173, %dma_wait3A_174] : memref<32x8x128xi32, #tpu.memory_space<hbm>> -> memref<1x8x128xi32, #tpu.memory_space<hbm>>
      %dma_wait3A_176 = tpu.memref_squeeze %dma_wait3A_175 : memref<1x8x128xi32, #tpu.memory_space<hbm>> -> memref<8x128xi32, #tpu.memory_space<hbm>>
      tpu.wait_dma2 semaphore(%run_scoped3A : memref<!tpu.dma_semaphore, #tpu.memory_space<semaphore_mem>>) src(%dma_wait3A_176 : memref<8x128xi32, #tpu.memory_space<hbm>>) dst(%arg5 : memref<8x128xi32, #tpu.memory_space<vmem>>)
      tpu.yield
    }) : () -> ()
    %dma_start3A = arith.constant 0 : i32
    %dma_start3A_1 = arith.constant 0 : i32
    %dma_start3A_2 = arith.constant 0 : i32
    %dma_start3A_3 = tpu.memref_slice %arg6[%dma_start3A_1, %dma_start3A_2] : memref<1024x32xf32, #tpu.memory_space<vmem>> -> memref<128x32xf32, #tpu.memory_space<vmem>>
    %dma_start3A_4 = arith.constant 0 : i32
    %dma_start3A_5 = tpu.memref_slice %arg5[%dma_start3A, %dma_start3A_4] : memref<8x128xi32, #tpu.memory_space<vmem>> -> memref<1x128xi32, #tpu.memory_space<vmem>>
    %dma_start3A_6 = tpu.memref_squeeze %dma_start3A_5 : memref<1x128xi32, #tpu.memory_space<vmem>> -> memref<128xi32, #tpu.memory_space<vmem>>
    %dma_start3A_7 = arith.constant 0 : i32
    %dma_start3A_8 = arith.constant 0 : i32
    %dma_start3A_9 = tpu.memref_slice %arg2[%dma_start3A_7, %dma_start3A_8] : memref<16384x32xf32, #tpu.memory_space<hbm>> -> memref<16384x32xf32, #tpu.memory_space<hbm>>
    tpu.enqueue_indirect_dma source(%dma_start3A_9 : memref<16384x32xf32, #tpu.memory_space<hbm>>) target(%dma_start3A_3 : memref<128x32xf32, #tpu.memory_space<vmem>>) offsets(%dma_start3A_6 : memref<128xi32, #tpu.memory_space<vmem>>) semaphore(%arg7 : memref<!tpu.dma_semaphore, #tpu.memory_space<semaphore_mem>>)
    %dma_start3A_10 = arith.constant 1 : i32
    %dma_start3A_11 = arith.constant 128 : i32
    %dma_start3A_12 = arith.constant 0 : i32
    %dma_start3A_13 = tpu.memref_slice %arg6[%dma_start3A_11, %dma_start3A_12] : memref<1024x32xf32, #tpu.memory_space<vmem>> -> memref<128x32xf32, #tpu.memory_space<vmem>>
    %dma_start3A_14 = arith.constant 0 : i32
    %dma_start3A_15 = tpu.memref_slice %arg5[%dma_start3A_10, %dma_start3A_14] : memref<8x128xi32, #tpu.memory_space<vmem>> -> memref<1x128xi32, #tpu.memory_space<vmem>>
    %dma_start3A_16 = tpu.memref_squeeze %dma_start3A_15 : memref<1x128xi32, #tpu.memory_space<vmem>> -> memref<128xi32, #tpu.memory_space<vmem>>
    %dma_start3A_17 = arith.constant 0 : i32
    %dma_start3A_18 = arith.constant 0 : i32
    %dma_start3A_19 = tpu.memref_slice %arg2[%dma_start3A_17, %dma_start3A_18] : memref<16384x32xf32, #tpu.memory_space<hbm>> -> memref<16384x32xf32, #tpu.memory_space<hbm>>
    tpu.enqueue_indirect_dma source(%dma_start3A_19 : memref<16384x32xf32, #tpu.memory_space<hbm>>) target(%dma_start3A_13 : memref<128x32xf32, #tpu.memory_space<vmem>>) offsets(%dma_start3A_16 : memref<128xi32, #tpu.memory_space<vmem>>) semaphore(%arg7 : memref<!tpu.dma_semaphore, #tpu.memory_space<semaphore_mem>>)
    %dma_start3A_20 = arith.constant 2 : i32
    %dma_start3A_21 = arith.constant 256 : i32
    %dma_start3A_22 = arith.constant 0 : i32
    %dma_start3A_23 = tpu.memref_slice %arg6[%dma_start3A_21, %dma_start3A_22] : memref<1024x32xf32, #tpu.memory_space<vmem>> -> memref<128x32xf32, #tpu.memory_space<vmem>>
    %dma_start3A_24 = arith.constant 0 : i32
    %dma_start3A_25 = tpu.memref_slice %arg5[%dma_start3A_20, %dma_start3A_24] : memref<8x128xi32, #tpu.memory_space<vmem>> -> memref<1x128xi32, #tpu.memory_space<vmem>>
    %dma_start3A_26 = tpu.memref_squeeze %dma_start3A_25 : memref<1x128xi32, #tpu.memory_space<vmem>> -> memref<128xi32, #tpu.memory_space<vmem>>
    %dma_start3A_27 = arith.constant 0 : i32
    %dma_start3A_28 = arith.constant 0 : i32
    %dma_start3A_29 = tpu.memref_slice %arg2[%dma_start3A_27, %dma_start3A_28] : memref<16384x32xf32, #tpu.memory_space<hbm>> -> memref<16384x32xf32, #tpu.memory_space<hbm>>
    tpu.enqueue_indirect_dma source(%dma_start3A_29 : memref<16384x32xf32, #tpu.memory_space<hbm>>) target(%dma_start3A_23 : memref<128x32xf32, #tpu.memory_space<vmem>>) offsets(%dma_start3A_26 : memref<128xi32, #tpu.memory_space<vmem>>) semaphore(%arg7 : memref<!tpu.dma_semaphore, #tpu.memory_space<semaphore_mem>>)
    %dma_start3A_30 = arith.constant 3 : i32
    %dma_start3A_31 = arith.constant 384 : i32
    %dma_start3A_32 = arith.constant 0 : i32
    %dma_start3A_33 = tpu.memref_slice %arg6[%dma_start3A_31, %dma_start3A_32] : memref<1024x32xf32, #tpu.memory_space<vmem>> -> memref<128x32xf32, #tpu.memory_space<vmem>>
    %dma_start3A_34 = arith.constant 0 : i32
    %dma_start3A_35 = tpu.memref_slice %arg5[%dma_start3A_30, %dma_start3A_34] : memref<8x128xi32, #tpu.memory_space<vmem>> -> memref<1x128xi32, #tpu.memory_space<vmem>>
    %dma_start3A_36 = tpu.memref_squeeze %dma_start3A_35 : memref<1x128xi32, #tpu.memory_space<vmem>> -> memref<128xi32, #tpu.memory_space<vmem>>
    %dma_start3A_37 = arith.constant 0 : i32
    %dma_start3A_38 = arith.constant 0 : i32
    %dma_start3A_39 = tpu.memref_slice %arg2[%dma_start3A_37, %dma_start3A_38] : memref<16384x32xf32, #tpu.memory_space<hbm>> -> memref<16384x32xf32, #tpu.memory_space<hbm>>
    tpu.enqueue_indirect_dma source(%dma_start3A_39 : memref<16384x32xf32, #tpu.memory_space<hbm>>) target(%dma_start3A_33 : memref<128x32xf32, #tpu.memory_space<vmem>>) offsets(%dma_start3A_36 : memref<128xi32, #tpu.memory_space<vmem>>) semaphore(%arg7 : memref<!tpu.dma_semaphore, #tpu.memory_space<semaphore_mem>>)
    %dma_start3A_40 = arith.constant 4 : i32
    %dma_start3A_41 = arith.constant 512 : i32
    %dma_start3A_42 = arith.constant 0 : i32
    %dma_start3A_43 = tpu.memref_slice %arg6[%dma_start3A_41, %dma_start3A_42] : memref<1024x32xf32, #tpu.memory_space<vmem>> -> memref<128x32xf32, #tpu.memory_space<vmem>>
    %dma_start3A_44 = arith.constant 0 : i32
    %dma_start3A_45 = tpu.memref_slice %arg5[%dma_start3A_40, %dma_start3A_44] : memref<8x128xi32, #tpu.memory_space<vmem>> -> memref<1x128xi32, #tpu.memory_space<vmem>>
    %dma_start3A_46 = tpu.memref_squeeze %dma_start3A_45 : memref<1x128xi32, #tpu.memory_space<vmem>> -> memref<128xi32, #tpu.memory_space<vmem>>
    %dma_start3A_47 = arith.constant 0 : i32
    %dma_start3A_48 = arith.constant 0 : i32
    %dma_start3A_49 = tpu.memref_slice %arg2[%dma_start3A_47, %dma_start3A_48] : memref<16384x32xf32, #tpu.memory_space<hbm>> -> memref<16384x32xf32, #tpu.memory_space<hbm>>
    tpu.enqueue_indirect_dma source(%dma_start3A_49 : memref<16384x32xf32, #tpu.memory_space<hbm>>) target(%dma_start3A_43 : memref<128x32xf32, #tpu.memory_space<vmem>>) offsets(%dma_start3A_46 : memref<128xi32, #tpu.memory_space<vmem>>) semaphore(%arg7 : memref<!tpu.dma_semaphore, #tpu.memory_space<semaphore_mem>>)
    %dma_start3A_50 = arith.constant 5 : i32
    %dma_start3A_51 = arith.constant 640 : i32
    %dma_start3A_52 = arith.constant 0 : i32
    %dma_start3A_53 = tpu.memref_slice %arg6[%dma_start3A_51, %dma_start3A_52] : memref<1024x32xf32, #tpu.memory_space<vmem>> -> memref<128x32xf32, #tpu.memory_space<vmem>>
    %dma_start3A_54 = arith.constant 0 : i32
    %dma_start3A_55 = tpu.memref_slice %arg5[%dma_start3A_50, %dma_start3A_54] : memref<8x128xi32, #tpu.memory_space<vmem>> -> memref<1x128xi32, #tpu.memory_space<vmem>>
    %dma_start3A_56 = tpu.memref_squeeze %dma_start3A_55 : memref<1x128xi32, #tpu.memory_space<vmem>> -> memref<128xi32, #tpu.memory_space<vmem>>
    %dma_start3A_57 = arith.constant 0 : i32
    %dma_start3A_58 = arith.constant 0 : i32
    %dma_start3A_59 = tpu.memref_slice %arg2[%dma_start3A_57, %dma_start3A_58] : memref<16384x32xf32, #tpu.memory_space<hbm>> -> memref<16384x32xf32, #tpu.memory_space<hbm>>
    tpu.enqueue_indirect_dma source(%dma_start3A_59 : memref<16384x32xf32, #tpu.memory_space<hbm>>) target(%dma_start3A_53 : memref<128x32xf32, #tpu.memory_space<vmem>>) offsets(%dma_start3A_56 : memref<128xi32, #tpu.memory_space<vmem>>) semaphore(%arg7 : memref<!tpu.dma_semaphore, #tpu.memory_space<semaphore_mem>>)
    %dma_start3A_60 = arith.constant 6 : i32
    %dma_start3A_61 = arith.constant 768 : i32
    %dma_start3A_62 = arith.constant 0 : i32
    %dma_start3A_63 = tpu.memref_slice %arg6[%dma_start3A_61, %dma_start3A_62] : memref<1024x32xf32, #tpu.memory_space<vmem>> -> memref<128x32xf32, #tpu.memory_space<vmem>>
    %dma_start3A_64 = arith.constant 0 : i32
    %dma_start3A_65 = tpu.memref_slice %arg5[%dma_start3A_60, %dma_start3A_64] : memref<8x128xi32, #tpu.memory_space<vmem>> -> memref<1x128xi32, #tpu.memory_space<vmem>>
    %dma_start3A_66 = tpu.memref_squeeze %dma_start3A_65 : memref<1x128xi32, #tpu.memory_space<vmem>> -> memref<128xi32, #tpu.memory_space<vmem>>
    %dma_start3A_67 = arith.constant 0 : i32
    %dma_start3A_68 = arith.constant 0 : i32
    %dma_start3A_69 = tpu.memref_slice %arg2[%dma_start3A_67, %dma_start3A_68] : memref<16384x32xf32, #tpu.memory_space<hbm>> -> memref<16384x32xf32, #tpu.memory_space<hbm>>
    tpu.enqueue_indirect_dma source(%dma_start3A_69 : memref<16384x32xf32, #tpu.memory_space<hbm>>) target(%dma_start3A_63 : memref<128x32xf32, #tpu.memory_space<vmem>>) offsets(%dma_start3A_66 : memref<128xi32, #tpu.memory_space<vmem>>) semaphore(%arg7 : memref<!tpu.dma_semaphore, #tpu.memory_space<semaphore_mem>>)
    %dma_start3A_70 = arith.constant 7 : i32
    %dma_start3A_71 = arith.constant 896 : i32
    %dma_start3A_72 = arith.constant 0 : i32
    %dma_start3A_73 = tpu.memref_slice %arg6[%dma_start3A_71, %dma_start3A_72] : memref<1024x32xf32, #tpu.memory_space<vmem>> -> memref<128x32xf32, #tpu.memory_space<vmem>>
    %dma_start3A_74 = arith.constant 0 : i32
    %dma_start3A_75 = tpu.memref_slice %arg5[%dma_start3A_70, %dma_start3A_74] : memref<8x128xi32, #tpu.memory_space<vmem>> -> memref<1x128xi32, #tpu.memory_space<vmem>>
    %dma_start3A_76 = tpu.memref_squeeze %dma_start3A_75 : memref<1x128xi32, #tpu.memory_space<vmem>> -> memref<128xi32, #tpu.memory_space<vmem>>
    %dma_start3A_77 = arith.constant 0 : i32
    %dma_start3A_78 = arith.constant 0 : i32
    %dma_start3A_79 = tpu.memref_slice %arg2[%dma_start3A_77, %dma_start3A_78] : memref<16384x32xf32, #tpu.memory_space<hbm>> -> memref<16384x32xf32, #tpu.memory_space<hbm>>
    tpu.enqueue_indirect_dma source(%dma_start3A_79 : memref<16384x32xf32, #tpu.memory_space<hbm>>) target(%dma_start3A_73 : memref<128x32xf32, #tpu.memory_space<vmem>>) offsets(%dma_start3A_76 : memref<128xi32, #tpu.memory_space<vmem>>) semaphore(%arg7 : memref<!tpu.dma_semaphore, #tpu.memory_space<semaphore_mem>>)
    %dma_wait3A = arith.constant 0 : i32
    %dma_wait3A_80 = arith.constant 0 : i32
    %dma_wait3A_81 = arith.constant 0 : i32
    %dma_wait3A_82 = tpu.memref_slice %arg6[%dma_wait3A_80, %dma_wait3A_81] : memref<1024x32xf32, #tpu.memory_space<vmem>> -> memref<128x32xf32, #tpu.memory_space<vmem>>
    %dma_wait3A_83 = arith.constant 0 : i32
    %dma_wait3A_84 = tpu.memref_slice %arg5[%dma_wait3A, %dma_wait3A_83] : memref<8x128xi32, #tpu.memory_space<vmem>> -> memref<1x128xi32, #tpu.memory_space<vmem>>
    %dma_wait3A_85 = tpu.memref_squeeze %dma_wait3A_84 : memref<1x128xi32, #tpu.memory_space<vmem>> -> memref<128xi32, #tpu.memory_space<vmem>>
    %dma_wait3A_86 = arith.constant 0 : i32
    %dma_wait3A_87 = arith.constant 0 : i32
    %dma_wait3A_88 = tpu.memref_slice %arg2[%dma_wait3A_86, %dma_wait3A_87] : memref<16384x32xf32, #tpu.memory_space<hbm>> -> memref<16384x32xf32, #tpu.memory_space<hbm>>
    tpu.wait_indirect_dma semaphore(%arg7 : memref<!tpu.dma_semaphore, #tpu.memory_space<semaphore_mem>>) src(%dma_wait3A_88 : memref<16384x32xf32, #tpu.memory_space<hbm>>) dst(%dma_wait3A_82 : memref<128x32xf32, #tpu.memory_space<vmem>>)
    %dma_wait3A_89 = arith.constant 1 : i32
    %dma_wait3A_90 = arith.constant 128 : i32
    %dma_wait3A_91 = arith.constant 0 : i32
    %dma_wait3A_92 = tpu.memref_slice %arg6[%dma_wait3A_90, %dma_wait3A_91] : memref<1024x32xf32, #tpu.memory_space<vmem>> -> memref<128x32xf32, #tpu.memory_space<vmem>>
    %dma_wait3A_93 = arith.constant 0 : i32
    %dma_wait3A_94 = tpu.memref_slice %arg5[%dma_wait3A_89, %dma_wait3A_93] : memref<8x128xi32, #tpu.memory_space<vmem>> -> memref<1x128xi32, #tpu.memory_space<vmem>>
    %dma_wait3A_95 = tpu.memref_squeeze %dma_wait3A_94 : memref<1x128xi32, #tpu.memory_space<vmem>> -> memref<128xi32, #tpu.memory_space<vmem>>
    %dma_wait3A_96 = arith.constant 0 : i32
    %dma_wait3A_97 = arith.constant 0 : i32
    %dma_wait3A_98 = tpu.memref_slice %arg2[%dma_wait3A_96, %dma_wait3A_97] : memref<16384x32xf32, #tpu.memory_space<hbm>> -> memref<16384x32xf32, #tpu.memory_space<hbm>>
    tpu.wait_indirect_dma semaphore(%arg7 : memref<!tpu.dma_semaphore, #tpu.memory_space<semaphore_mem>>) src(%dma_wait3A_98 : memref<16384x32xf32, #tpu.memory_space<hbm>>) dst(%dma_wait3A_92 : memref<128x32xf32, #tpu.memory_space<vmem>>)
    %dma_wait3A_99 = arith.constant 2 : i32
    %dma_wait3A_100 = arith.constant 256 : i32
    %dma_wait3A_101 = arith.constant 0 : i32
    %dma_wait3A_102 = tpu.memref_slice %arg6[%dma_wait3A_100, %dma_wait3A_101] : memref<1024x32xf32, #tpu.memory_space<vmem>> -> memref<128x32xf32, #tpu.memory_space<vmem>>
    %dma_wait3A_103 = arith.constant 0 : i32
    %dma_wait3A_104 = tpu.memref_slice %arg5[%dma_wait3A_99, %dma_wait3A_103] : memref<8x128xi32, #tpu.memory_space<vmem>> -> memref<1x128xi32, #tpu.memory_space<vmem>>
    %dma_wait3A_105 = tpu.memref_squeeze %dma_wait3A_104 : memref<1x128xi32, #tpu.memory_space<vmem>> -> memref<128xi32, #tpu.memory_space<vmem>>
    %dma_wait3A_106 = arith.constant 0 : i32
    %dma_wait3A_107 = arith.constant 0 : i32
    %dma_wait3A_108 = tpu.memref_slice %arg2[%dma_wait3A_106, %dma_wait3A_107] : memref<16384x32xf32, #tpu.memory_space<hbm>> -> memref<16384x32xf32, #tpu.memory_space<hbm>>
    tpu.wait_indirect_dma semaphore(%arg7 : memref<!tpu.dma_semaphore, #tpu.memory_space<semaphore_mem>>) src(%dma_wait3A_108 : memref<16384x32xf32, #tpu.memory_space<hbm>>) dst(%dma_wait3A_102 : memref<128x32xf32, #tpu.memory_space<vmem>>)
    %dma_wait3A_109 = arith.constant 3 : i32
    %dma_wait3A_110 = arith.constant 384 : i32
    %dma_wait3A_111 = arith.constant 0 : i32
    %dma_wait3A_112 = tpu.memref_slice %arg6[%dma_wait3A_110, %dma_wait3A_111] : memref<1024x32xf32, #tpu.memory_space<vmem>> -> memref<128x32xf32, #tpu.memory_space<vmem>>
    %dma_wait3A_113 = arith.constant 0 : i32
    %dma_wait3A_114 = tpu.memref_slice %arg5[%dma_wait3A_109, %dma_wait3A_113] : memref<8x128xi32, #tpu.memory_space<vmem>> -> memref<1x128xi32, #tpu.memory_space<vmem>>
    %dma_wait3A_115 = tpu.memref_squeeze %dma_wait3A_114 : memref<1x128xi32, #tpu.memory_space<vmem>> -> memref<128xi32, #tpu.memory_space<vmem>>
    %dma_wait3A_116 = arith.constant 0 : i32
    %dma_wait3A_117 = arith.constant 0 : i32
    %dma_wait3A_118 = tpu.memref_slice %arg2[%dma_wait3A_116, %dma_wait3A_117] : memref<16384x32xf32, #tpu.memory_space<hbm>> -> memref<16384x32xf32, #tpu.memory_space<hbm>>
    tpu.wait_indirect_dma semaphore(%arg7 : memref<!tpu.dma_semaphore, #tpu.memory_space<semaphore_mem>>) src(%dma_wait3A_118 : memref<16384x32xf32, #tpu.memory_space<hbm>>) dst(%dma_wait3A_112 : memref<128x32xf32, #tpu.memory_space<vmem>>)
    %dma_wait3A_119 = arith.constant 4 : i32
    %dma_wait3A_120 = arith.constant 512 : i32
    %dma_wait3A_121 = arith.constant 0 : i32
    %dma_wait3A_122 = tpu.memref_slice %arg6[%dma_wait3A_120, %dma_wait3A_121] : memref<1024x32xf32, #tpu.memory_space<vmem>> -> memref<128x32xf32, #tpu.memory_space<vmem>>
    %dma_wait3A_123 = arith.constant 0 : i32
    %dma_wait3A_124 = tpu.memref_slice %arg5[%dma_wait3A_119, %dma_wait3A_123] : memref<8x128xi32, #tpu.memory_space<vmem>> -> memref<1x128xi32, #tpu.memory_space<vmem>>
    %dma_wait3A_125 = tpu.memref_squeeze %dma_wait3A_124 : memref<1x128xi32, #tpu.memory_space<vmem>> -> memref<128xi32, #tpu.memory_space<vmem>>
    %dma_wait3A_126 = arith.constant 0 : i32
    %dma_wait3A_127 = arith.constant 0 : i32
    %dma_wait3A_128 = tpu.memref_slice %arg2[%dma_wait3A_126, %dma_wait3A_127] : memref<16384x32xf32, #tpu.memory_space<hbm>> -> memref<16384x32xf32, #tpu.memory_space<hbm>>
    tpu.wait_indirect_dma semaphore(%arg7 : memref<!tpu.dma_semaphore, #tpu.memory_space<semaphore_mem>>) src(%dma_wait3A_128 : memref<16384x32xf32, #tpu.memory_space<hbm>>) dst(%dma_wait3A_122 : memref<128x32xf32, #tpu.memory_space<vmem>>)
    %dma_wait3A_129 = arith.constant 5 : i32
    %dma_wait3A_130 = arith.constant 640 : i32
    %dma_wait3A_131 = arith.constant 0 : i32
    %dma_wait3A_132 = tpu.memref_slice %arg6[%dma_wait3A_130, %dma_wait3A_131] : memref<1024x32xf32, #tpu.memory_space<vmem>> -> memref<128x32xf32, #tpu.memory_space<vmem>>
    %dma_wait3A_133 = arith.constant 0 : i32
    %dma_wait3A_134 = tpu.memref_slice %arg5[%dma_wait3A_129, %dma_wait3A_133] : memref<8x128xi32, #tpu.memory_space<vmem>> -> memref<1x128xi32, #tpu.memory_space<vmem>>
    %dma_wait3A_135 = tpu.memref_squeeze %dma_wait3A_134 : memref<1x128xi32, #tpu.memory_space<vmem>> -> memref<128xi32, #tpu.memory_space<vmem>>
    %dma_wait3A_136 = arith.constant 0 : i32
    %dma_wait3A_137 = arith.constant 0 : i32
    %dma_wait3A_138 = tpu.memref_slice %arg2[%dma_wait3A_136, %dma_wait3A_137] : memref<16384x32xf32, #tpu.memory_space<hbm>> -> memref<16384x32xf32, #tpu.memory_space<hbm>>
    tpu.wait_indirect_dma semaphore(%arg7 : memref<!tpu.dma_semaphore, #tpu.memory_space<semaphore_mem>>) src(%dma_wait3A_138 : memref<16384x32xf32, #tpu.memory_space<hbm>>) dst(%dma_wait3A_132 : memref<128x32xf32, #tpu.memory_space<vmem>>)
    %dma_wait3A_139 = arith.constant 6 : i32
    %dma_wait3A_140 = arith.constant 768 : i32
    %dma_wait3A_141 = arith.constant 0 : i32
    %dma_wait3A_142 = tpu.memref_slice %arg6[%dma_wait3A_140, %dma_wait3A_141] : memref<1024x32xf32, #tpu.memory_space<vmem>> -> memref<128x32xf32, #tpu.memory_space<vmem>>
    %dma_wait3A_143 = arith.constant 0 : i32
    %dma_wait3A_144 = tpu.memref_slice %arg5[%dma_wait3A_139, %dma_wait3A_143] : memref<8x128xi32, #tpu.memory_space<vmem>> -> memref<1x128xi32, #tpu.memory_space<vmem>>
    %dma_wait3A_145 = tpu.memref_squeeze %dma_wait3A_144 : memref<1x128xi32, #tpu.memory_space<vmem>> -> memref<128xi32, #tpu.memory_space<vmem>>
    %dma_wait3A_146 = arith.constant 0 : i32
    %dma_wait3A_147 = arith.constant 0 : i32
    %dma_wait3A_148 = tpu.memref_slice %arg2[%dma_wait3A_146, %dma_wait3A_147] : memref<16384x32xf32, #tpu.memory_space<hbm>> -> memref<16384x32xf32, #tpu.memory_space<hbm>>
    tpu.wait_indirect_dma semaphore(%arg7 : memref<!tpu.dma_semaphore, #tpu.memory_space<semaphore_mem>>) src(%dma_wait3A_148 : memref<16384x32xf32, #tpu.memory_space<hbm>>) dst(%dma_wait3A_142 : memref<128x32xf32, #tpu.memory_space<vmem>>)
    %dma_wait3A_149 = arith.constant 7 : i32
    %dma_wait3A_150 = arith.constant 896 : i32
    %dma_wait3A_151 = arith.constant 0 : i32
    %dma_wait3A_152 = tpu.memref_slice %arg6[%dma_wait3A_150, %dma_wait3A_151] : memref<1024x32xf32, #tpu.memory_space<vmem>> -> memref<128x32xf32, #tpu.memory_space<vmem>>
    %dma_wait3A_153 = arith.constant 0 : i32
    %dma_wait3A_154 = tpu.memref_slice %arg5[%dma_wait3A_149, %dma_wait3A_153] : memref<8x128xi32, #tpu.memory_space<vmem>> -> memref<1x128xi32, #tpu.memory_space<vmem>>
    %dma_wait3A_155 = tpu.memref_squeeze %dma_wait3A_154 : memref<1x128xi32, #tpu.memory_space<vmem>> -> memref<128xi32, #tpu.memory_space<vmem>>
    %dma_wait3A_156 = arith.constant 0 : i32
    %dma_wait3A_157 = arith.constant 0 : i32
    %dma_wait3A_158 = tpu.memref_slice %arg2[%dma_wait3A_156, %dma_wait3A_157] : memref<16384x32xf32, #tpu.memory_space<hbm>> -> memref<16384x32xf32, #tpu.memory_space<hbm>>
    tpu.wait_indirect_dma semaphore(%arg7 : memref<!tpu.dma_semaphore, #tpu.memory_space<semaphore_mem>>) src(%dma_wait3A_158 : memref<16384x32xf32, #tpu.memory_space<hbm>>) dst(%dma_wait3A_152 : memref<128x32xf32, #tpu.memory_space<vmem>>)
    %mul3A_159 = arith.constant 1024 : i32
    %mul3A_160 = arith.muli %add3A, %mul3A_159 : i32
    "tpu.region"() ({
      %run_scoped3A = tpu.sem_alloc : memref<!tpu.dma_semaphore, #tpu.memory_space<semaphore_mem>>
      %dma_start3A_161 = arith.constant 0 : i32
      %dma_start3A_162 = tpu.memref_slice %arg4[%mul3A_160, %dma_start3A_161] : memref<32768x128xf32, #tpu.memory_space<hbm>> -> memref<1024x32xf32, #tpu.memory_space<hbm>>
      %dma_start3A_163 = arith.constant 0 : i32
      %dma_start3A_164 = tpu.memref_slice %arg4[%mul3A_160, %dma_start3A_163] : memref<32768x128xf32, #tpu.memory_space<hbm>> -> memref<1024x32xf32, #tpu.memory_space<hbm>>
      tpu.enqueue_dma source(%arg6 : memref<1024x32xf32, #tpu.memory_space<vmem>>) target(%dma_start3A_164 : memref<1024x32xf32, #tpu.memory_space<hbm>>) target_semaphore(%run_scoped3A : memref<!tpu.dma_semaphore, #tpu.memory_space<semaphore_mem>>)
      %dma_wait3A_165 = arith.constant 0 : i32
      %dma_wait3A_166 = tpu.memref_slice %arg4[%mul3A_160, %dma_wait3A_165] : memref<32768x128xf32, #tpu.memory_space<hbm>> -> memref<1024x32xf32, #tpu.memory_space<hbm>>
      %dma_wait3A_167 = arith.constant 0 : i32
      %dma_wait3A_168 = tpu.memref_slice %arg4[%mul3A_160, %dma_wait3A_167] : memref<32768x128xf32, #tpu.memory_space<hbm>> -> memref<1024x32xf32, #tpu.memory_space<hbm>>
      tpu.wait_dma2 semaphore(%run_scoped3A : memref<!tpu.dma_semaphore, #tpu.memory_space<semaphore_mem>>) src(%arg6 : memref<1024x32xf32, #tpu.memory_space<vmem>>) dst(%dma_wait3A_168 : memref<1024x32xf32, #tpu.memory_space<hbm>>)
      tpu.yield
    }) : () -> ()
    return
  }
}

module attributes {stable_mosaic.version = 14 : i64} {
  func.func @_msg_body(%arg0: i32, %arg1: memref<1x8192x16xf32, #tpu.memory_space<vmem>>, %arg2: memref<8192x128xf32, #tpu.memory_space<vmem>>, %arg3: memref<16x512xbf16, #tpu.memory_space<vmem>>, %arg4: memref<512x32xbf16, #tpu.memory_space<vmem>>, %arg5: memref<8192x128xf32, #tpu.memory_space<vmem>>) attributes {dimension_semantics = [#tpu.dimension_semantics<arbitrary>], iteration_bounds = array<i64: 4>, scalar_prefetch = 0 : i64, scratch_operands = 0 : i64, tpu.core_type = #tpu.core_type<tc>, window_params = [{transform_indices = @transform_0, window_bounds = array<i64: 1, 8192, 16>}, {transform_indices = @transform_1, window_bounds = array<i64: 8192, 128>}, {pipeline_mode = #tpu.pipeline_mode<synchronous>, transform_indices = @transform_2, window_bounds = array<i64: 16, 512>}, {pipeline_mode = #tpu.pipeline_mode<synchronous>, transform_indices = @transform_3, window_bounds = array<i64: 512, 32>}, {transform_indices = @transform_4, window_bounds = array<i64: 8192, 128>}]} {
    %get3A = arith.constant 0 : index
    %get3A_0 = arith.constant 0 : index
    %get3A_1 = arith.constant 0 : index
    %get3A_2 = vector.load %arg1[%get3A, %get3A_0, %get3A_1] : memref<1x8192x16xf32, #tpu.memory_space<vmem>>, vector<1x8192x16xf32>
    %get3A_3 = vector.shape_cast %get3A_2 : vector<1x8192x16xf32> to vector<8192x16xf32>
    %convert_element_type3A = arith.truncf %get3A_3 : vector<8192x16xf32> to vector<8192x16xbf16>
    %get3A_4 = arith.constant 0 : index
    %get3A_5 = arith.constant 0 : index
    %get3A_6 = vector.load %arg2[%get3A_4, %get3A_5] : memref<8192x128xf32, #tpu.memory_space<vmem>>, vector<8192x32xf32>
    %convert_element_type3A_7 = arith.truncf %get3A_6 : vector<8192x32xf32> to vector<8192x32xbf16>
    %get3A_8 = arith.constant 0 : index
    %get3A_9 = arith.constant 0 : index
    %get3A_10 = vector.load %arg3[%get3A_8, %get3A_9] : memref<16x512xbf16, #tpu.memory_space<vmem>>, vector<16x512xbf16>
    %dot_general3A = arith.constant dense<0.000000e+00> : vector<8192x512xf32>
    %dot_general3A_11 = tpu.matmul %convert_element_type3A, %get3A_10, %dot_general3A {dimension_numbers = #tpu.dot_dimension_numbers<[1], [0], [0], [1], [0, 0, 1, 1], [], []>, transpose_lhs_hint = false} : vector<8192x16xbf16>, vector<16x512xbf16>, vector<8192x512xf32> -> vector<8192x512xf32>
    %convert_element_type3A_12 = arith.truncf %dot_general3A_11 : vector<8192x512xf32> to vector<8192x512xbf16>
    %concatenate3A = tpu.concatenate %convert_element_type3A_7, %convert_element_type3A_7, %convert_element_type3A_7, %convert_element_type3A_7, %convert_element_type3A_7, %convert_element_type3A_7, %convert_element_type3A_7, %convert_element_type3A_7, %convert_element_type3A_7, %convert_element_type3A_7, %convert_element_type3A_7, %convert_element_type3A_7, %convert_element_type3A_7, %convert_element_type3A_7, %convert_element_type3A_7, %convert_element_type3A_7 in 1 : vector<8192x32xbf16>, vector<8192x32xbf16>, vector<8192x32xbf16>, vector<8192x32xbf16>, vector<8192x32xbf16>, vector<8192x32xbf16>, vector<8192x32xbf16>, vector<8192x32xbf16>, vector<8192x32xbf16>, vector<8192x32xbf16>, vector<8192x32xbf16>, vector<8192x32xbf16>, vector<8192x32xbf16>, vector<8192x32xbf16>, vector<8192x32xbf16>, vector<8192x32xbf16> -> vector<8192x512xbf16>
    %mul3A = arith.mulf %convert_element_type3A_12, %concatenate3A : vector<8192x512xbf16>
    %get3A_13 = arith.constant 0 : index
    %get3A_14 = arith.constant 0 : index
    %get3A_15 = vector.load %arg4[%get3A_13, %get3A_14] : memref<512x32xbf16, #tpu.memory_space<vmem>>, vector<512x32xbf16>
    %dot_general3A_16 = arith.constant dense<0.000000e+00> : vector<8192x32xf32>
    %dot_general3A_17 = tpu.matmul %mul3A, %get3A_15, %dot_general3A_16 {dimension_numbers = #tpu.dot_dimension_numbers<[1], [0], [0], [1], [0, 0, 1, 1], [], []>, transpose_lhs_hint = false} : vector<8192x512xbf16>, vector<512x32xbf16>, vector<8192x32xf32> -> vector<8192x32xf32>
    %swap3A = arith.constant 0 : index
    %swap3A_18 = arith.constant 0 : index
    %swap3A_19 = vector.load %arg5[%swap3A, %swap3A_18] : memref<8192x128xf32, #tpu.memory_space<vmem>>, vector<8192x32xf32>
    tpu.vector_store %arg5[%swap3A, %swap3A_18], %dot_general3A_17 {strides = array<i32>} : memref<8192x128xf32, #tpu.memory_space<vmem>>, vector<8192x32xf32>,
    return
  }
  func.func @transform_0(%arg0: i32) -> (i32, i32, i32) {
    %jit3A = arith.constant 1 : i32
    %div3A = arith.divsi %arg0, %jit3A : i32
    %sign3A = arith.constant 0 : i32
    %sign3A_0 = arith.cmpi sgt, %arg0, %sign3A : i32
    %sign3A_1 = arith.extui %sign3A_0 : i1 to i32
    %sign3A_2 = arith.constant 0 : i32
    %sign3A_3 = arith.cmpi slt, %arg0, %sign3A_2 : i32
    %sign3A_4 = arith.extui %sign3A_3 : i1 to i32
    %sign3A_5 = arith.subi %sign3A_1, %sign3A_4 : i32
    %sign3A_6 = arith.constant 0 : i32
    %sign3A_7 = arith.cmpi sgt, %jit3A, %sign3A_6 : i32
    %sign3A_8 = arith.extui %sign3A_7 : i1 to i32
    %sign3A_9 = arith.constant 0 : i32
    %sign3A_10 = arith.cmpi slt, %jit3A, %sign3A_9 : i32
    %sign3A_11 = arith.extui %sign3A_10 : i1 to i32
    %sign3A_12 = arith.subi %sign3A_8, %sign3A_11 : i32
    %ne3A = arith.cmpi ne, %sign3A_5, %sign3A_12 : i32
    %rem3A = arith.remsi %arg0, %jit3A : i32
    %ne3A_13 = arith.constant 0 : i32
    %ne3A_14 = arith.cmpi ne, %rem3A, %ne3A_13 : i32
    %and3A = arith.andi %ne3A, %ne3A_14 : i1
    %sub3A = arith.constant 1 : i32
    %sub3A_15 = arith.subi %div3A, %sub3A : i32
    %select_n3A = arith.select %and3A, %sub3A_15, %div3A : i32
    %jit3A_16 = arith.constant 1 : i32
    %eq3A = arith.constant 0 : i32
    %eq3A_17 = arith.cmpi eq, %jit3A_16, %eq3A : i32
    %jit3A_18 = arith.constant 1 : i32
    %select_n3A_19 = arith.select %eq3A_17, %jit3A_18, %jit3A_16 : i32
    %rem3A_20 = arith.remsi %arg0, %select_n3A_19 : i32
    %ne3A_21 = arith.constant 0 : i32
    %ne3A_22 = arith.cmpi ne, %rem3A_20, %ne3A_21 : i32
    %lt3A = arith.constant 0 : i32
    %lt3A_23 = arith.cmpi slt, %rem3A_20, %lt3A : i32
    %lt3A_24 = arith.constant 0 : i32
    %lt3A_25 = arith.cmpi slt, %select_n3A_19, %lt3A_24 : i32
    %ne3A_26 = arith.xori %lt3A_23, %lt3A_25 : i1
    %and3A_27 = arith.andi %ne3A_26, %ne3A_22 : i1
    %add3A = arith.addi %rem3A_20, %select_n3A_19 : i32
    %select_n3A_28 = arith.select %and3A_27, %add3A, %rem3A_20 : i32
    %c0_i32 = arith.constant 0 : i32
    %c0_i32_29 = arith.constant 0 : i32
    return %select_n3A, %select_n3A_28, %c0_i32 : i32, i32, i32
  }
  func.func @transform_1(%arg0: i32) -> (i32, i32) {
    %c0_i32 = arith.constant 0 : i32
    %c0_i32_0 = arith.constant 0 : i32
    return %arg0, %c0_i32 : i32, i32
  }
  func.func @transform_2(%arg0: i32) -> (i32, i32) {
    %c0_i32 = arith.constant 0 : i32
    %c0_i32_0 = arith.constant 0 : i32
    %c0_i32_1 = arith.constant 0 : i32
    return %c0_i32, %c0_i32_0 : i32, i32
  }
  func.func @transform_3(%arg0: i32) -> (i32, i32) {
    %c0_i32 = arith.constant 0 : i32
    %c0_i32_0 = arith.constant 0 : i32
    %c0_i32_1 = arith.constant 0 : i32
    return %c0_i32, %c0_i32_0 : i32, i32
  }
  func.func @transform_4(%arg0: i32) -> (i32, i32) {
    %c0_i32 = arith.constant 0 : i32
    %c0_i32_0 = arith.constant 0 : i32
    return %arg0, %c0_i32 : i32, i32
  }
}

module attributes {stable_mosaic.version = 14 : i64} {
  func.func @_gru_body(%arg0: i32, %arg1: memref<4096x128xf32, #tpu.memory_space<vmem>>, %arg2: memref<1x4096x32xf32, #tpu.memory_space<vmem>>, %arg3: memref<64x96xf32, #tpu.memory_space<vmem>>, %arg4: memref<32x32xf32, #tpu.memory_space<vmem>>, %arg5: memref<1x96xf32, #tpu.memory_space<vmem>>, %arg6: memref<1x32xf32, #tpu.memory_space<vmem>>, %arg7: memref<1x4096x32xf32, #tpu.memory_space<vmem>>) attributes {dimension_semantics = [#tpu.dimension_semantics<arbitrary>], iteration_bounds = array<i64: 4>, scalar_prefetch = 0 : i64, scratch_operands = 0 : i64, tpu.core_type = #tpu.core_type<tc>, window_params = [{transform_indices = @transform_0, window_bounds = array<i64: 4096, 128>}, {transform_indices = @transform_1, window_bounds = array<i64: 1, 4096, 32>}, {pipeline_mode = #tpu.pipeline_mode<synchronous>, transform_indices = @transform_2, window_bounds = array<i64: 64, 96>}, {pipeline_mode = #tpu.pipeline_mode<synchronous>, transform_indices = @transform_3, window_bounds = array<i64: 32, 32>}, {pipeline_mode = #tpu.pipeline_mode<synchronous>, transform_indices = @transform_4, window_bounds = array<i64: 1, 96>}, {pipeline_mode = #tpu.pipeline_mode<synchronous>, transform_indices = @transform_5, window_bounds = array<i64: 1, 32>}, {transform_indices = @transform_6, window_bounds = array<i64: 1, 4096, 32>}]} {
    %get3A = arith.constant 0 : index
    %get3A_0 = arith.constant 0 : index
    %get3A_1 = vector.load %arg1[%get3A, %get3A_0] : memref<4096x128xf32, #tpu.memory_space<vmem>>, vector<4096x128xf32>
    %slice3A = vector.extract_strided_slice %get3A_1 {offsets = [0, 0], sizes = [4096, 32], strides = [1, 1]} : vector<4096x128xf32> to vector<4096x32xf32>
    %slice3A_2 = vector.extract_strided_slice %get3A_1 {offsets = [0, 32], sizes = [4096, 32], strides = [1, 1]} : vector<4096x128xf32> to vector<4096x32xf32>
    %add3A = arith.addf %slice3A, %slice3A_2 : vector<4096x32xf32>
    %get3A_3 = arith.constant 0 : index
    %get3A_4 = arith.constant 0 : index
    %get3A_5 = arith.constant 0 : index
    %get3A_6 = vector.load %arg2[%get3A_3, %get3A_4, %get3A_5] : memref<1x4096x32xf32, #tpu.memory_space<vmem>>, vector<1x4096x32xf32>
    %get3A_7 = vector.shape_cast %get3A_6 : vector<1x4096x32xf32> to vector<4096x32xf32>
    %concatenate3A = tpu.concatenate %add3A, %get3A_7 in 1 : vector<4096x32xf32>, vector<4096x32xf32> -> vector<4096x64xf32>
    %get3A_8 = arith.constant 0 : index
    %get3A_9 = arith.constant 0 : index
    %get3A_10 = vector.load %arg3[%get3A_8, %get3A_9] : memref<64x96xf32, #tpu.memory_space<vmem>>, vector<64x96xf32>
    %dot_general3A = arith.constant dense<0.000000e+00> : vector<4096x96xf32>
    %dot_general3A_11 = tpu.matmul %concatenate3A, %get3A_10, %dot_general3A {dimension_numbers = #tpu.dot_dimension_numbers<[1], [0], [0], [1], [0, 0, 1, 1], [], []>, transpose_lhs_hint = false} : vector<4096x64xf32>, vector<64x96xf32>, vector<4096x96xf32> -> vector<4096x96xf32>
    %get3A_12 = arith.constant 0 : index
    %get3A_13 = arith.constant 0 : index
    %get3A_14 = vector.load %arg5[%get3A_12, %get3A_13] : memref<1x96xf32, #tpu.memory_space<vmem>>, vector<1x96xf32>
    %add3A_15 = vector.broadcast %get3A_14 : vector<1x96xf32> to vector<4096x96xf32>
    %add3A_16 = arith.addf %dot_general3A_11, %add3A_15 : vector<4096x96xf32>
    %get3A_17 = arith.constant 0 : index
    %get3A_18 = arith.constant 0 : index
    %get3A_19 = vector.load %arg4[%get3A_17, %get3A_18] : memref<32x32xf32, #tpu.memory_space<vmem>>, vector<32x32xf32>
    %dot_general3A_20 = arith.constant dense<0.000000e+00> : vector<4096x32xf32>
    %dot_general3A_21 = tpu.matmul %get3A_7, %get3A_19, %dot_general3A_20 {dimension_numbers = #tpu.dot_dimension_numbers<[1], [0], [0], [1], [0, 0, 1, 1], [], []>, transpose_lhs_hint = false} : vector<4096x32xf32>, vector<32x32xf32>, vector<4096x32xf32> -> vector<4096x32xf32>
    %get3A_22 = arith.constant 0 : index
    %get3A_23 = arith.constant 0 : index
    %get3A_24 = vector.load %arg6[%get3A_22, %get3A_23] : memref<1x32xf32, #tpu.memory_space<vmem>>, vector<1x32xf32>
    %add3A_25 = vector.broadcast %get3A_24 : vector<1x32xf32> to vector<4096x32xf32>
    %add3A_26 = arith.addf %dot_general3A_21, %add3A_25 : vector<4096x32xf32>
    %slice3A_27 = vector.extract_strided_slice %add3A_16 {offsets = [0, 0], sizes = [4096, 32], strides = [1, 1]} : vector<4096x96xf32> to vector<4096x32xf32>
    %logistic3A = arith.negf %slice3A_27 : vector<4096x32xf32>
    %logistic3A_28 = math.exp %logistic3A : vector<4096x32xf32>
    %logistic3A_29 = arith.constant 1.000000e+00 : f32
    %logistic3A_30 = vector.broadcast %logistic3A_29 : f32 to vector<4096x32xf32>
    %logistic3A_31 = arith.addf %logistic3A_30, %logistic3A_28 : vector<4096x32xf32>
    %logistic3A_32 = arith.divf %logistic3A_30, %logistic3A_31 : vector<4096x32xf32>
    %slice3A_33 = vector.extract_strided_slice %add3A_16 {offsets = [0, 32], sizes = [4096, 32], strides = [1, 1]} : vector<4096x96xf32> to vector<4096x32xf32>
    %logistic3A_34 = arith.negf %slice3A_33 : vector<4096x32xf32>
    %logistic3A_35 = math.exp %logistic3A_34 : vector<4096x32xf32>
    %logistic3A_36 = arith.constant 1.000000e+00 : f32
    %logistic3A_37 = vector.broadcast %logistic3A_36 : f32 to vector<4096x32xf32>
    %logistic3A_38 = arith.addf %logistic3A_37, %logistic3A_35 : vector<4096x32xf32>
    %logistic3A_39 = arith.divf %logistic3A_37, %logistic3A_38 : vector<4096x32xf32>
    %slice3A_40 = vector.extract_strided_slice %add3A_16 {offsets = [0, 64], sizes = [4096, 32], strides = [1, 1]} : vector<4096x96xf32> to vector<4096x32xf32>
    %sub3A = arith.constant 1.000000e+00 : f32
    %sub3A_41 = vector.broadcast %sub3A : f32 to vector<4096x32xf32>
    %sub3A_42 = arith.subf %logistic3A_39, %sub3A_41 : vector<4096x32xf32>
    %mul3A = arith.mulf %sub3A_42, %add3A_26 : vector<4096x32xf32>
    %add3A_43 = arith.addf %slice3A_40, %mul3A : vector<4096x32xf32>
    %tanh3A = math.tanh %add3A_43 : vector<4096x32xf32>
    %mul3A_44 = arith.mulf %logistic3A_32, %get3A_7 : vector<4096x32xf32>
    %sub3A_45 = arith.constant 1.000000e+00 : f32
    %sub3A_46 = vector.broadcast %sub3A_45 : f32 to vector<4096x32xf32>
    %sub3A_47 = arith.subf %sub3A_46, %logistic3A_32 : vector<4096x32xf32>
    %mul3A_48 = arith.mulf %sub3A_47, %tanh3A : vector<4096x32xf32>
    %add3A_49 = arith.addf %mul3A_44, %mul3A_48 : vector<4096x32xf32>
    %swap3A = arith.constant 0 : index
    %swap3A_50 = arith.constant 0 : index
    %swap3A_51 = arith.constant 0 : index
    %swap3A_52 = vector.load %arg7[%swap3A, %swap3A_50, %swap3A_51] : memref<1x4096x32xf32, #tpu.memory_space<vmem>>, vector<1x4096x32xf32>
    %swap3A_53 = vector.shape_cast %swap3A_52 : vector<1x4096x32xf32> to vector<4096x32xf32>
    %swap3A_54 = vector.shape_cast %add3A_49 : vector<4096x32xf32> to vector<1x4096x32xf32>
    tpu.vector_store %arg7[%swap3A, %swap3A_50, %swap3A_51], %swap3A_54 {strides = array<i32>} : memref<1x4096x32xf32, #tpu.memory_space<vmem>>, vector<1x4096x32xf32>,
    return
  }
  func.func @transform_0(%arg0: i32) -> (i32, i32) {
    %c0_i32 = arith.constant 0 : i32
    %c0_i32_0 = arith.constant 0 : i32
    return %arg0, %c0_i32 : i32, i32
  }
  func.func @transform_1(%arg0: i32) -> (i32, i32, i32) {
    %jit3A = arith.constant 1 : i32
    %div3A = arith.divsi %arg0, %jit3A : i32
    %sign3A = arith.constant 0 : i32
    %sign3A_0 = arith.cmpi sgt, %arg0, %sign3A : i32
    %sign3A_1 = arith.extui %sign3A_0 : i1 to i32
    %sign3A_2 = arith.constant 0 : i32
    %sign3A_3 = arith.cmpi slt, %arg0, %sign3A_2 : i32
    %sign3A_4 = arith.extui %sign3A_3 : i1 to i32
    %sign3A_5 = arith.subi %sign3A_1, %sign3A_4 : i32
    %sign3A_6 = arith.constant 0 : i32
    %sign3A_7 = arith.cmpi sgt, %jit3A, %sign3A_6 : i32
    %sign3A_8 = arith.extui %sign3A_7 : i1 to i32
    %sign3A_9 = arith.constant 0 : i32
    %sign3A_10 = arith.cmpi slt, %jit3A, %sign3A_9 : i32
    %sign3A_11 = arith.extui %sign3A_10 : i1 to i32
    %sign3A_12 = arith.subi %sign3A_8, %sign3A_11 : i32
    %ne3A = arith.cmpi ne, %sign3A_5, %sign3A_12 : i32
    %rem3A = arith.remsi %arg0, %jit3A : i32
    %ne3A_13 = arith.constant 0 : i32
    %ne3A_14 = arith.cmpi ne, %rem3A, %ne3A_13 : i32
    %and3A = arith.andi %ne3A, %ne3A_14 : i1
    %sub3A = arith.constant 1 : i32
    %sub3A_15 = arith.subi %div3A, %sub3A : i32
    %select_n3A = arith.select %and3A, %sub3A_15, %div3A : i32
    %jit3A_16 = arith.constant 1 : i32
    %eq3A = arith.constant 0 : i32
    %eq3A_17 = arith.cmpi eq, %jit3A_16, %eq3A : i32
    %jit3A_18 = arith.constant 1 : i32
    %select_n3A_19 = arith.select %eq3A_17, %jit3A_18, %jit3A_16 : i32
    %rem3A_20 = arith.remsi %arg0, %select_n3A_19 : i32
    %ne3A_21 = arith.constant 0 : i32
    %ne3A_22 = arith.cmpi ne, %rem3A_20, %ne3A_21 : i32
    %lt3A = arith.constant 0 : i32
    %lt3A_23 = arith.cmpi slt, %rem3A_20, %lt3A : i32
    %lt3A_24 = arith.constant 0 : i32
    %lt3A_25 = arith.cmpi slt, %select_n3A_19, %lt3A_24 : i32
    %ne3A_26 = arith.xori %lt3A_23, %lt3A_25 : i1
    %and3A_27 = arith.andi %ne3A_26, %ne3A_22 : i1
    %add3A = arith.addi %rem3A_20, %select_n3A_19 : i32
    %select_n3A_28 = arith.select %and3A_27, %add3A, %rem3A_20 : i32
    %c0_i32 = arith.constant 0 : i32
    %c0_i32_29 = arith.constant 0 : i32
    return %select_n3A, %select_n3A_28, %c0_i32 : i32, i32, i32
  }
  func.func @transform_2(%arg0: i32) -> (i32, i32) {
    %c0_i32 = arith.constant 0 : i32
    %c0_i32_0 = arith.constant 0 : i32
    %c0_i32_1 = arith.constant 0 : i32
    return %c0_i32, %c0_i32_0 : i32, i32
  }
  func.func @transform_3(%arg0: i32) -> (i32, i32) {
    %c0_i32 = arith.constant 0 : i32
    %c0_i32_0 = arith.constant 0 : i32
    %c0_i32_1 = arith.constant 0 : i32
    return %c0_i32, %c0_i32_0 : i32, i32
  }
  func.func @transform_4(%arg0: i32) -> (i32, i32) {
    %c0_i32 = arith.constant 0 : i32
    %c0_i32_0 = arith.constant 0 : i32
    %c0_i32_1 = arith.constant 0 : i32
    return %c0_i32, %c0_i32_0 : i32, i32
  }
  func.func @transform_5(%arg0: i32) -> (i32, i32) {
    %c0_i32 = arith.constant 0 : i32
    %c0_i32_0 = arith.constant 0 : i32
    %c0_i32_1 = arith.constant 0 : i32
    return %c0_i32, %c0_i32_0 : i32, i32
  }
  func.func @transform_6(%arg0: i32) -> (i32, i32, i32) {
    %jit3A = arith.constant 1 : i32
    %div3A = arith.divsi %arg0, %jit3A : i32
    %sign3A = arith.constant 0 : i32
    %sign3A_0 = arith.cmpi sgt, %arg0, %sign3A : i32
    %sign3A_1 = arith.extui %sign3A_0 : i1 to i32
    %sign3A_2 = arith.constant 0 : i32
    %sign3A_3 = arith.cmpi slt, %arg0, %sign3A_2 : i32
    %sign3A_4 = arith.extui %sign3A_3 : i1 to i32
    %sign3A_5 = arith.subi %sign3A_1, %sign3A_4 : i32
    %sign3A_6 = arith.constant 0 : i32
    %sign3A_7 = arith.cmpi sgt, %jit3A, %sign3A_6 : i32
    %sign3A_8 = arith.extui %sign3A_7 : i1 to i32
    %sign3A_9 = arith.constant 0 : i32
    %sign3A_10 = arith.cmpi slt, %jit3A, %sign3A_9 : i32
    %sign3A_11 = arith.extui %sign3A_10 : i1 to i32
    %sign3A_12 = arith.subi %sign3A_8, %sign3A_11 : i32
    %ne3A = arith.cmpi ne, %sign3A_5, %sign3A_12 : i32
    %rem3A = arith.remsi %arg0, %jit3A : i32
    %ne3A_13 = arith.constant 0 : i32
    %ne3A_14 = arith.cmpi ne, %rem3A, %ne3A_13 : i32
    %and3A = arith.andi %ne3A, %ne3A_14 : i1
    %sub3A = arith.constant 1 : i32
    %sub3A_15 = arith.subi %div3A, %sub3A : i32
    %select_n3A = arith.select %and3A, %sub3A_15, %div3A : i32
    %jit3A_16 = arith.constant 1 : i32
    %eq3A = arith.constant 0 : i32
    %eq3A_17 = arith.cmpi eq, %jit3A_16, %eq3A : i32
    %jit3A_18 = arith.constant 1 : i32
    %select_n3A_19 = arith.select %eq3A_17, %jit3A_18, %jit3A_16 : i32
    %rem3A_20 = arith.remsi %arg0, %select_n3A_19 : i32
    %ne3A_21 = arith.constant 0 : i32
    %ne3A_22 = arith.cmpi ne, %rem3A_20, %ne3A_21 : i32
    %lt3A = arith.constant 0 : i32
    %lt3A_23 = arith.cmpi slt, %rem3A_20, %lt3A : i32
    %lt3A_24 = arith.constant 0 : i32
    %lt3A_25 = arith.cmpi slt, %select_n3A_19, %lt3A_24 : i32
    %ne3A_26 = arith.xori %lt3A_23, %lt3A_25 : i1
    %and3A_27 = arith.andi %ne3A_26, %ne3A_22 : i1
    %add3A = arith.addi %rem3A_20, %select_n3A_19 : i32
    %select_n3A_28 = arith.select %and3A_27, %add3A, %rem3A_20 : i32
    %c0_i32 = arith.constant 0 : i32
    %c0_i32_29 = arith.constant 0 : i32
    return %select_n3A, %select_n3A_28, %c0_i32 : i32, i32, i32
  }
}

</mosaic_0001>

<sc_bundles>
// kernel: kernel.6.cloned.1.call-start
scs
__scs_entry_jumppad:
0x0: {  	(pc) =	sbr.rel $0x88, $3  }
0x1: {  	(tag) =	ssettag $0x0;
	lr =	simm.s32 $0x1  }
0x2: {  	[smem:$0x3F9A] =	sst lr;
	_ =	strace $0xD0000000  }
0x3: {  	_ = 	snop  }
0x4: {  	_ = 	snop  }
0x5: {  	_ = 	snop  }
0x6: {  	_ = 	snop  }
0x7: {  	_ = 	snop  }
__scs_overlays_trampoline_lowered:
0x8: {  	[smem:$0x3FA9] =	sst s0  }
0x9: {  	[smem:$0x3FAA] =	sst s1  }
0xa: {  	[smem:$0x3FAB] =	sst s2  }
0xb: {  	[smem:$0x3FAC] =	sst s3  }
0xc: {  	[smem:$0x3FAD] =	sst s4  }
0xd: {  	[smem:$0x3FAE] =	sst s5  }
0xe: {  	[smem:$0x3FAF] =	sst s6  }
0xf: {  	[smem:$0x3FB0] =	sst s7  }
0x10: {  	[smem:$0x3FB1] =	sst s8  }
0x11: {  	[smem:$0x3FB2] =	sst s9;
	s0 =	simm.s32 @!p0 $0x0  }
0x12: {  	s1 =	sld [smem:$0x3F98];
	s0 =	simm.s32 @p0 $0x1  }
0x13: {  	[smem:$0x3FB3] =	sst s0;
	s0 =	simm.s32 @!p1 $0x0  }
0x14: {  	s2 =	sld [smem:$0x3F97];
	s0 =	simm.s32 @p1 $0x1  }
0x15: {  	[smem:$0x3FB4] =	sst s0;
	s0 =	simm.s32 @!p2 $0x0  }
0x16: {  	s3 =	sld [smem:$0x3FDB];
	s0 =	simm.s32 @p2 $0x1  }
0x17: {  	s4 =	simm.s32 $0x1BF5;
	[smem:$0x3FB6] =	sst s0  }
0x18: {  	s0 =	sld [smem:$0x3F99];
	_ =	swait.ge [sflag:s4], $0x0  }
0x19: {  	s7 =	sld [smem:$0x3F9A]  }
0x1a: {  	s8 =	sadd.s32 $0xFFFFE003, lr  }
0x1b: {  	s9 =	sadd.s32 $0xFFFFFEF7, lr;
	s5 =	simm.s32 $0xFFFFFFFF;
	p2 =	slt.u32 s8, $0xFFFFF086  }
0x1c: {  	p1 =	slt.u32 s9, $0xF7A;
	s5 =	simm.s32 @!p2 $0x0  }
0x1d: {  	s5 =	simm.s32 @p1 $0x1;
	p0 =	seq.s32 s7, s2  }
0x1e: {  	s7 =	smul.u32 @!p0 $0xF7A, s2;
	p2 =	seq.s32 @!p0 s5, $0x0  }
0x1f: {  	s9 =	smul.u32 $0xF7A, s1;
	s8 =	simm.s32 @!p0 $0x1BF5;
	p2 =	por !p2, p0  }
0x20: {  	[sflag:s8] =	ssyncset.s32 @!p0 $0xFFFFF086;
	s6 =	sadd.s32 @!p0 s3, s7;
	s7 =	simm.s32 @!p0 $0x108  }
0x21: {  	s3 =	sadd.s32 s3, s9;
	s6 =	sadd.s32 @!p0 $0x88, s6;
	s7 =	simm.s32 @p2 $0x1082  }
0x22: {  	[simem:s7], [sflag:s8] =	dma.local @!p0 [hbm:s6], $0xF7A  }
0x23: {  	s9 =	sor.u32 $0xD0000000, s2;
	s6 =	simm.s32 $0x108;
	_ =	swait.ge @!p0 [sflag:s8], $0x0  }
0x24: {  	s3 =	sadd.s32 $0x88, s3;
	s6 =	simm.s32 @!p1 $0x1082;
	[sflag:s4] =	ssyncset.s32 $0xFFFFF086  }
0x25: {  	[simem:s6], [sflag:s4] =	dma.local [hbm:s3], $0xF7A  }
0x26: {  	[smem:$0x3F9A] =	sst s1;
	(tag) =	ssettag s2;
	_ =	strace s9  }
0x27: {  	s1 =	sld [smem:$0x3FAA]  }
0x28: {  	s2 =	sld [smem:$0x3FAB]  }
0x29: {  	s4 =	sld [smem:$0x3FAD]  }
0x2a: {  	p0 =	seq.s32 s5, $0x0;
	s5 =	sld [smem:$0x3FAE]  }
0x2b: {  	s6 =	sld [smem:$0x3FAF]  }
0x2c: {  	s7 =	sld [smem:$0x3FB0]  }
0x2d: {  	s3 =	simm.s32 $0x108;
	s8 =	sld [smem:$0x3FB1]  }
0x2e: {  	s3 =	simm.s32 @!p0 $0x1082;
	s9 =	sld [smem:$0x3FB2]  }
0x2f: {  	lr =	sadd.s32 s0, s3;
	s0 =	sld [smem:$0x3FA9]  }
0x30: {  	s3 =	sld [smem:$0x3FAC]  }
0x31: {  	[smem:$0x3FB5] =	sst s10  }
0x32: {  	s10 =	sld [smem:$0x3FB3];
	_ =	sdelay $0x3  }
0x33: {  	p0 =	seq.s32 s10, $0x1;
	s10 =	sld [smem:$0x3FB5];
	_ =	sdelay $0x3  }
0x34: {  	[smem:$0x3FB5] =	sst s10  }
0x35: {  	s10 =	sld [smem:$0x3FB4];
	_ =	sdelay $0x3  }
0x36: {  	p1 =	seq.s32 s10, $0x1;
	s10 =	sld [smem:$0x3FB5];
	_ =	sdelay $0x3  }
0x37: {  	[smem:$0x3FB5] =	sst s10  }
0x38: {  	s10 =	sld [smem:$0x3FB6]  }
0x39: {  	_ = 	snop;
	(pc) =	sbr.ind lr, $3  }
0x3a: {  	_ = 	snop  }
0x3b: {  	_ = 	snop  }
0x3c: {  	p2 =	seq.s32 s10, $0x1;
	s10 =	sld [smem:$0x3FB5]  }
0x3d: {  	_ =	shalt  }
0x3e: {  	_ =	shalt  }
0x3f: {  	_ =	shalt  }
0x40: {  	_ =	shalt  }
0x41: {  	_ =	shalt  }
0x42: {  	_ =	shalt  }
0x43: {  	_ =	shalt  }
0x44: {  	_ =	shalt  }
0x45: {  	_ =	shalt  }
0x46: {  	_ =	shalt  }
0x47: {  	_ =	shalt  }
0x48: {  	_ =	shalt  }
0x49: {  	_ =	shalt  }
0x4a: {  	_ =	shalt  }
0x4b: {  	_ =	shalt  }
0x4c: {  	_ =	shalt  }
0x4d: {  	_ =	shalt  }
0x4e: {  	_ =	shalt  }
0x4f: {  	_ =	shalt  }
0x50: {  	_ =	shalt  }
0x51: {  	_ =	shalt  }
0x52: {  	_ =	shalt  }
0x53: {  	_ =	shalt  }
0x54: {  	_ =	shalt  }
0x55: {  	_ =	shalt  }
0x56: {  	_ =	shalt  }
0x57: {  	_ =	shalt  }
0x58: {  	_ =	shalt  }
0x59: {  	_ =	shalt  }
0x5a: {  	_ =	shalt  }
0x5b: {  	_ =	shalt  }
0x5c: {  	_ =	shalt  }
0x5d: {  	_ =	shalt  }
0x5e: {  	_ =	shalt  }
0x5f: {  	_ =	shalt  }
0x60: {  	_ =	shalt  }
0x61: {  	_ =	shalt  }
0x62: {  	_ =	shalt  }
0x63: {  	_ =	shalt  }
0x64: {  	_ =	shalt  }
0x65: {  	_ =	shalt  }
0x66: {  	_ =	shalt  }
0x67: {  	_ =	shalt  }
0x68: {  	_ =	shalt  }
0x69: {  	_ =	shalt  }
0x6a: {  	_ =	shalt  }
0x6b: {  	_ =	shalt  }
0x6c: {  	_ =	shalt  }
0x6d: {  	_ =	shalt  }
0x6e: {  	_ =	shalt  }
0x6f: {  	_ =	shalt  }
0x70: {  	_ =	shalt  }
0x71: {  	_ =	shalt  }
0x72: {  	_ =	shalt  }
0x73: {  	_ =	shalt  }
0x74: {  	_ =	shalt  }
0x75: {  	_ =	shalt  }
0x76: {  	_ =	shalt  }
0x77: {  	_ =	shalt  }
0x78: {  	_ =	shalt  }
0x79: {  	_ =	shalt  }
0x7a: {  	_ =	shalt  }
0x7b: {  	_ =	shalt  }
0x7c: {  	_ =	shalt  }
0x7d: {  	_ =	shalt  }
0x7e: {  	_ =	shalt  }
0x7f: {  	_ =	shalt  }
0x80: {  	_ =	shalt  }
0x81: {  	_ =	shalt  }
0x82: {  	_ =	shalt  }
0x83: {  	_ =	shalt  }
0x84: {  	_ =	shalt  }
0x85: {  	_ =	shalt  }
0x86: {  	_ =	shalt  }
0x87: {  	_ =	shalt  }
.Lfunc_end0:
.L_simem_size_0:
called_computation_lowered:
.L_overlay_start_0:
0x88: {  	s2 =	sld [smem:$0x3FD9]  }
0x89: {  	s3 =	sld [smem:$0x3FFE];
	_ =	sdelay $0x1  }
0x8a: {  	s1 =	srdreg.scid  }
0x8b: {  	s0 =	sand.u32 $0x1, s1  }
0x8c: {  	s17 =	sshll.u32 s0, $0xA;
	s2 =	sadd.s32 s3, s2  }
0x8d: {  	s2 =	sadd.s32 s2, s17  }
0x8e: {  	[smem:$0x3FC1] =	sst s2  }
0x8f: {  	_ = 	snop  }
0x90: {  	s2 =	sld [smem:$0x3FD0];
	(tm) =	ssettm $0x1  }
0x91: {  	s18 =	sld [smem:$0x3FFB];
	_ =	sdelay $0x3  }
0x92: {  	_ =	strace s18  }
0x93: {  	s3 =	sld [smem:$0x3FFC];
	_ =	sdelay $0x3  }
0x94: {  	_ =	strace s3  }
0x95: {  	s3 =	sld [smem:$0x3FFD];
	_ =	sdelay $0x3  }
0x96: {  	_ =	strace s3  }
0x97: {  	_ =	strace $0x8FFFFFFF  }
0x98: {  	s19 =	sld [smem:$0x3FDB];
	_ =	sdelay $0x1  }
0x99: {  	s4 =	simm.s32 $_scs_section_size  }
0x9a: {  	s5 =	simm.s32 $_size__tile_overlayer_lowered;
	s6 =	simm.s32 $_tile_overlayer_lowered  }
0x9b: {  	s22 =	simm.s32 $0x1BFF;
	s21 =	sshll.u32 s6, $0x1;
	s3 =	sadd.s32 s4, s19  }
0x9c: {  	s7 =	simm.s32 $0x0;
	s20 =	sshll.u32 s5, $0x1;
	s5 =	sadd.s32 s21, s3  }
0x9d: {  	[timem:s7], [sflag:s22] =	dma.local [hbm:s5], s20  }
0x9e: {  	_ =	swait.ge [sflag:s22], s20  }
0x9f: {  	s4 =	ssub.s32 $0x0, s20;
	[sflag:s22] =	ssyncset.done $0x0  }
0xa0: {  	[sflag:s22] =	ssyncadd.s32 s4;
	_ =	sdelay $0x1  }
0xa1: {  	s23 =	simm.s32 $0x1B8B  }
0xa2: {  	_ =	swait.ge [sflag:s23], $0x1  }
0xa3: {  	[sflag:s23] =	ssyncset.done $0x0  }
0xa4: {  	s25 =	simm.s32 $0x1B8E;
	s24 =	sld [smem:$0x3FFE];
	[sflag:s23] =	ssyncadd.s32 $0xFFFFFFFF  }
0xa5: {  	s26 =	simm.s32 $execute0_lowered;
	[smem:$0x3FD2] =	sst s25  }
0xa6: {  	s5 =	sshll.u32 s26, $0x1;
	_ =	strace $0x80000046;
	[dreg:$0x1] =	wrdreg $0xFFFFFFFF  }
0xa7: {  	s28 =	simm.s32 $_size_execute0_lowered;
	s3 =	sadd.s32 s3, s5;
	[dreg:$0x0] =	wrdreg $0x0  }
0xa8: {  	s5 =	sshll.u32 s28, $0x1;
	[dreg:$0x2] =	wrdreg s3  }
0xa9: {  	[dreg:$0x3] =	wrdreg s5  }
0xaa: {  	[dreg:$0x4] =	wrdreg $0xC0  }
0xab: {  	_ =	task [dreg:s7], $0x5FFFF  }
0xac: {  	[dreg:$0x1] =	wrdreg $0xFFFFFFFF  }
0xad: {  	[dreg:$0x0] =	wrdreg $0x60  }
0xae: {  	[dreg:$0x2] =	wrdreg s2  }
0xaf: {  	[dreg:$0x3] =	wrdreg s24  }
0xb0: {  	[dreg:$0x4] =	wrdreg $0x9  }
0xb1: {  	_ =	task.clear_ibuf [dreg:s7], $0x5FFFF;
	_ =	strace $0x90000046  }
0xb2: {  	s29 =	simm.s32 $0x9;
	_ =	strace $0x80000048  }
0xb3: {  	_ =	swait.ge [sflag:s29], $0x1  }
0xb4: {  	[sflag:s29] =	ssyncadd.s32 $0xFFFFFFFF  }
0xb5: {  	_ =	strace $0x90000048  }
0xb6: {  	_ =	sfence  }
0xb7: {  	s30 =	sld [smem:$0x0];
	_ =	sdelay $0x2  }
0xb8: {  	s31 =	sshll.u32 s1, $0xD;
	s1 =	sshrl.u32 s1, $0x2  }
0xb9: {  	s3 =	sand.u32 $0x4000, s31;
	s1 =	sadd.s32 s1, s30  }
0xba: {  	s0 =	sor.u32 s3, s0;
	s1 =	sshll.u32 s1, $0x11  }
0xbb: {  	s0 =	sor.u32 s1, s0  }
0xbc: {  	s0 =	sadd.s32 $0x8F2B, s0  }
0xbd: {  	[sflag:s0] =	ssyncadd.remote.s32 $0x1  }
0xbe: {  	_ =	sfence.sel $0xFFFF  }
0xbf: {  	[dreg:$0x0] =	wrdreg $0xFFFFFFFF;
	(pc) =	sbr.abs _section_cstart, $3  }
0xc0: {  	[dreg:$0x1] =	wrdreg $0xFFFFFFFF  }
0xc1: {  	_ =	task.clear_ibuf [dreg:s7], $0x2FFFF;
	_ =	strace $0x9FFFFFFF  }
0xc2: {  	(tm) =	ssettm $0x7FFFFFFF  }
0xc3: {  	_ =	shalt  }
tec
execute0_lowered:
.L_overlay_start_1:
0x0: {  	(tag) =	ssettag $0x1  }
0x1: {  	s1 =	srdreg.scid  }
0x2: {  	s0 =	stileid.u32;
	s22 =	sand.u32 $0x1, s1  }
0x3: {  	s2 =	rddreg [dreg:$0x0];
	s30 =	sshll.u32 s0, $0xB;
	s3 =	sshll.u32 s22, $0xA  }
0x4: {  	s23 =	rddreg [dreg:$0x1];
	s24 =	sor.u32 s3, s30  }
0x5: {  	s1 =	rddreg [dreg:$0x2];
	s3 =	simm.s32 $0x0;
	s4 =	sshrl.u32 s24, $0x3  }
0x6: {  	[smem:$0x7FF] =	sst s3;
	s4 =	sadd.s32 s4, s23  }
0x7: {  	_ =	strace $0x80000047;
	s5 =	sadd.s32 $0x1800, s4;
	s4 =	simm.s32 $0x2  }
0x8: {  	[tilespmem:s3], [sflag:$0x2] =	stream.linear.gather [hbm4b:s5+s3], $0x400, $0x38;
	[tilespmem:$0x8400] =	vst v63  }
0x9: {  	_ =	swait.ge [sflag:s4], $0x400  }
0xa: {  	[sflag:s4] =	ssyncset.done $0x0  }
0xb: {  	s6 =	simm.s32 $0x80;
	s7 =	simm.s32 $0x400;
	[sflag:s4] =	ssyncadd.s32 $0xFFFFFC00  }
0xc: {  	[tilespmem:s7], [sflag:$0x1] =	stream.indirect.gather [hbm4b:s2+s6], $0x20, s3, s6, $0xb8;
	[tilespmem:$0x8400] =	vst v63  }
0xd: {  	s8 =	simm.s32 $0x1400  }
0xe: {  	[tilespmem:s8], [sflag:$0x1] =	stream.indirect.gather [hbm4b:s2+s6], $0x20, s6, s6, $0xb8;
	[tilespmem:$0x8400] =	vst v63  }
0xf: {  	s9 =	simm.s32 $0x100;
	s10 =	simm.s32 $0x2400  }
0x10: {  	[tilespmem:s10], [sflag:$0x1] =	stream.indirect.gather [hbm4b:s2+s6], $0x20, s9, s6, $0xb8;
	[tilespmem:$0x8400] =	vst v63  }
0x11: {  	s11 =	simm.s32 $0x180;
	s12 =	simm.s32 $0x3400  }
0x12: {  	[tilespmem:s12], [sflag:$0x1] =	stream.indirect.gather [hbm4b:s2+s6], $0x20, s11, s6, $0xb8;
	[tilespmem:$0x8400] =	vst v63  }
0x13: {  	s13 =	simm.s32 $0x200;
	s14 =	simm.s32 $0x4400  }
0x14: {  	[tilespmem:s14], [sflag:$0x1] =	stream.indirect.gather [hbm4b:s2+s6], $0x20, s13, s6, $0xb8;
	[tilespmem:$0x8400] =	vst v63  }
0x15: {  	s15 =	simm.s32 $0x280;
	s16 =	simm.s32 $0x5400  }
0x16: {  	[tilespmem:s16], [sflag:$0x1] =	stream.indirect.gather [hbm4b:s2+s6], $0x20, s15, s6, $0xb8;
	[tilespmem:$0x8400] =	vst v63  }
0x17: {  	s17 =	simm.s32 $0x300;
	s18 =	simm.s32 $0x6400  }
0x18: {  	[tilespmem:s18], [sflag:$0x1] =	stream.indirect.gather [hbm4b:s2+s6], $0x20, s17, s6, $0xb8;
	[tilespmem:$0x8400] =	vst v63  }
0x19: {  	s19 =	simm.s32 $0x380;
	s20 =	simm.s32 $0x7400;
	s21 =	simm.s32 $0x1  }
0x1a: {  	[tilespmem:s20], [sflag:$0x1] =	stream.indirect.gather [hbm4b:s2+s6], $0x20, s19, s6, $0xb8;
	[tilespmem:$0x8400] =	vst v63  }
0x1b: {  	_ =	swait.ge [sflag:s21], $0x1000  }
0x1c: {  	[sflag:s21] =	ssyncset.done $0x0  }
0x1d: {  	[sflag:s21] =	ssyncadd.s32 $0xFFFFF000  }
0x1e: {  	_ =	swait.ge [sflag:s21], $0x1000  }
0x1f: {  	[sflag:s21] =	ssyncset.done $0x0  }
0x20: {  	[sflag:s21] =	ssyncadd.s32 $0xFFFFF000  }
0x21: {  	_ =	swait.ge [sflag:s21], $0x1000  }
0x22: {  	[sflag:s21] =	ssyncset.done $0x0  }
0x23: {  	[sflag:s21] =	ssyncadd.s32 $0xFFFFF000  }
0x24: {  	_ =	swait.ge [sflag:s21], $0x1000  }
0x25: {  	[sflag:s21] =	ssyncset.done $0x0  }
0x26: {  	[sflag:s21] =	ssyncadd.s32 $0xFFFFF000  }
0x27: {  	_ =	swait.ge [sflag:s21], $0x1000  }
0x28: {  	[sflag:s21] =	ssyncset.done $0x0  }
0x29: {  	[sflag:s21] =	ssyncadd.s32 $0xFFFFF000  }
0x2a: {  	_ =	swait.ge [sflag:s21], $0x1000  }
0x2b: {  	[sflag:s21] =	ssyncset.done $0x0  }
0x2c: {  	s22 =	ssub.s32 $0x2, s22;
	[sflag:s21] =	ssyncadd.s32 $0xFFFFF000  }
0x2d: {  	s31 =	sshrl.u32 s22, $0x1;
	s24 =	sshll.u32 s24, $0x4;
	_ =	swait.ge [sflag:s21], $0x1000  }
0x2e: {  	s23 =	sadd.s32 s24, s23;
	s24 =	ssub.s32 s22, s31;
	[sflag:s21] =	ssyncset.done $0x0  }
0x2f: {  	s24 =	smax.u32 s24, $0x1;
	[sflag:s21] =	ssyncadd.s32 $0xFFFFF000  }
0x30: {  	p0 =	sne.s32 s24, $0x1;
	_ =	swait.ge [sflag:s21], $0x1000  }
.Ltmp0:
0x31: {  	[sflag:s21] =	ssyncset.done $0x0;
	(pc) =	sbr.rel @!p0 .LBB2_2-.Ltmp0, $4  }
0x32: {  	s22 =	sadd.s32 $0x42800, s23;
	s23 =	simm.s32 $0x20;
	[sflag:s21] =	ssyncadd.s32 $0xFFFFF000  }
0x33: {  	[hbm4b:s22+s23] =	stream.strided.scatter [tilespmem:s7], [sflag:$0x2], $0x8000, s6, s23, $0x38;
	[tilespmem:$0x8400] =	vst v63  }
0x34: {  	_ =	swait.ge [sflag:s4], $0x8000  }
0x35: {  	s24 =	sadd.s32 $0xFFFFFFFF, s24;
	[sflag:s4] =	ssyncset.done $0x0  }
.LBB2_1:
0x36: {  	p0 =	sne.s32 s24, $0x1;
	s24 =	sadd.s32 $0xFFFFFFFF, s24;
	[sflag:s4] =	ssyncadd.s32 $0xFFFF8000  }
0x37: {  	[tilespmem:s3], [sflag:$0x2] =	stream.linear.gather [hbm4b:s5+s3], $0x400, $0x38;
	[tilespmem:$0x8400] =	vst v63  }
0x38: {  	_ =	swait.ge [sflag:s4], $0x400  }
0x39: {  	[sflag:s4] =	ssyncset.done $0x0  }
0x3a: {  	[sflag:s4] =	ssyncadd.s32 $0xFFFFFC00  }
0x3b: {  	[tilespmem:s7], [sflag:$0x1] =	stream.indirect.gather [hbm4b:s2+s6], $0x20, s3, s6, $0xb8;
	[tilespmem:$0x8400] =	vst v63  }
0x3c: {  	_ = 	snop  }
0x3d: {  	[tilespmem:s8], [sflag:$0x1] =	stream.indirect.gather [hbm4b:s2+s6], $0x20, s6, s6, $0xb8;
	[tilespmem:$0x8400] =	vst v63  }
0x3e: {  	_ = 	snop  }
0x3f: {  	[tilespmem:s10], [sflag:$0x1] =	stream.indirect.gather [hbm4b:s2+s6], $0x20, s9, s6, $0xb8;
	[tilespmem:$0x8400] =	vst v63  }
0x40: {  	_ = 	snop  }
0x41: {  	[tilespmem:s12], [sflag:$0x1] =	stream.indirect.gather [hbm4b:s2+s6], $0x20, s11, s6, $0xb8;
	[tilespmem:$0x8400] =	vst v63  }
0x42: {  	_ = 	snop  }
0x43: {  	[tilespmem:s14], [sflag:$0x1] =	stream.indirect.gather [hbm4b:s2+s6], $0x20, s13, s6, $0xb8;
	[tilespmem:$0x8400] =	vst v63  }
0x44: {  	_ = 	snop  }
0x45: {  	[tilespmem:s16], [sflag:$0x1] =	stream.indirect.gather [hbm4b:s2+s6], $0x20, s15, s6, $0xb8;
	[tilespmem:$0x8400] =	vst v63  }
0x46: {  	_ = 	snop  }
0x47: {  	[tilespmem:s18], [sflag:$0x1] =	stream.indirect.gather [hbm4b:s2+s6], $0x20, s17, s6, $0xb8;
	[tilespmem:$0x8400] =	vst v63  }
0x48: {  	_ = 	snop  }
0x49: {  	[tilespmem:s20], [sflag:$0x1] =	stream.indirect.gather [hbm4b:s2+s6], $0x20, s19, s6, $0xb8;
	[tilespmem:$0x8400] =	vst v63  }
0x4a: {  	_ =	swait.ge [sflag:s21], $0x1000  }
0x4b: {  	[sflag:s21] =	ssyncset.done $0x0  }
0x4c: {  	[sflag:s21] =	ssyncadd.s32 $0xFFFFF000  }
0x4d: {  	_ =	swait.ge [sflag:s21], $0x1000  }
0x4e: {  	[sflag:s21] =	ssyncset.done $0x0  }
0x4f: {  	[sflag:s21] =	ssyncadd.s32 $0xFFFFF000  }
0x50: {  	_ =	swait.ge [sflag:s21], $0x1000  }
0x51: {  	[sflag:s21] =	ssyncset.done $0x0  }
0x52: {  	[sflag:s21] =	ssyncadd.s32 $0xFFFFF000  }
0x53: {  	_ =	swait.ge [sflag:s21], $0x1000  }
0x54: {  	[sflag:s21] =	ssyncset.done $0x0  }
0x55: {  	[sflag:s21] =	ssyncadd.s32 $0xFFFFF000  }
0x56: {  	_ =	swait.ge [sflag:s21], $0x1000  }
0x57: {  	[sflag:s21] =	ssyncset.done $0x0  }
0x58: {  	[sflag:s21] =	ssyncadd.s32 $0xFFFFF000  }
0x59: {  	_ =	swait.ge [sflag:s21], $0x1000  }
0x5a: {  	[sflag:s21] =	ssyncset.done $0x0  }
0x5b: {  	[sflag:s21] =	ssyncadd.s32 $0xFFFFF000  }
0x5c: {  	_ =	swait.ge [sflag:s21], $0x1000  }
0x5d: {  	[sflag:s21] =	ssyncset.done $0x0  }
0x5e: {  	[sflag:s21] =	ssyncadd.s32 $0xFFFFF000  }
0x5f: {  	_ =	swait.ge [sflag:s21], $0x1000  }
.Ltmp1:
0x60: {  	[sflag:s21] =	ssyncset.done $0x0;
	(pc) =	sbr.rel @p0 .LBB2_1-.Ltmp1, $4  }
0x61: {  	[sflag:s21] =	ssyncadd.s32 $0xFFFFF000  }
0x62: {  	[hbm4b:s22+s23] =	stream.strided.scatter [tilespmem:s7], [sflag:$0x2], $0x8000, s6, s23, $0x38;
	[tilespmem:$0x8400] =	vst v63  }
0x63: {  	_ =	swait.ge [sflag:s4], $0x8000  }
0x64: {  	[sflag:s4] =	ssyncset.done $0x0  }
.LBB2_2:
0x65: {  	[sflag:s4] =	ssyncadd.s32 $0xFFFF8000  }
0x66: {  	_ =	sfence.sel $0x180000  }
0x67: {  	[bflag:$0x0] =	sbarrier.arrive $0xFFFF  }
0x68: {  	p0 =	sne.s32 s0, $0x0;
	_ =	strace $0x90000047  }
0x69: {  	s0 =	sadd.s32 @!p0 $0x100000, s1;
	[bflag:$0x2] =	sbarrier.arrive $0xFFFF  }
0x6a: {  	[sflag:s0] =	ssyncadd.tile.s32 @!p0 $0x1;
	_ =	shalt  }
.Lfunc_end2:
_tile_overlayer_lowered:
.L_overlay_start_2:
0x6b: {  	(tag) =	ssettag $0x2  }
0x6c: {  	s0 =	rddreg [dreg:$0x0];
	s2 =	stileid.u32  }
0x6d: {  	s1 =	rddreg [dreg:$0x1];
	p0 =	sne.s32 s2, $0x0  }
0x6e: {  	s3 =	rddreg [dreg:$0x2];
	[bflag:$0x3] =	sbarrier.arrive $0xFFFF;
	s2 =	simm.s32 @!p0 $0x1C02  }
0x6f: {  	[timem:s3], [sflag:s2] =	dma.local @!p0 [hbm:s0], s1  }
0x70: {  	s0 =	simm.s32 @!p0 $0x2  }
0x71: {  	_ =	swait.ge @!p0 [sflag:s0], s1  }
0x72: {  	s1 =	ssub.s32 @!p0 $0x0, s1;
	[sflag:s0] =	ssyncset.done @!p0 $0x0  }
0x73: {  	[sflag:s0] =	ssyncadd.s32 @!p0 s1  }
0x74: {  	[bflag:$0x3] =	sbarrier.arrive $0xFFFF  }
0x75: {  	_ =	shalt  }

// kernel: kernel.9.cloned.1.call-start
scs
__scs_entry_jumppad:
0x0: {  	(pc) =	sbr.rel $0x88, $3  }
0x1: {  	(tag) =	ssettag $0x0;
	lr =	simm.s32 $0x1  }
0x2: {  	[smem:$0x3F9A] =	sst lr;
	_ =	strace $0xD0000000  }
0x3: {  	_ = 	snop  }
0x4: {  	_ = 	snop  }
0x5: {  	_ = 	snop  }
0x6: {  	_ = 	snop  }
0x7: {  	_ = 	snop  }
__scs_overlays_trampoline_lowered:
0x8: {  	[smem:$0x3FA9] =	sst s0  }
0x9: {  	[smem:$0x3FAA] =	sst s1  }
0xa: {  	[smem:$0x3FAB] =	sst s2  }
0xb: {  	[smem:$0x3FAC] =	sst s3  }
0xc: {  	[smem:$0x3FAD] =	sst s4  }
0xd: {  	[smem:$0x3FAE] =	sst s5  }
0xe: {  	[smem:$0x3FAF] =	sst s6  }
0xf: {  	[smem:$0x3FB0] =	sst s7  }
0x10: {  	[smem:$0x3FB1] =	sst s8  }
0x11: {  	[smem:$0x3FB2] =	sst s9;
	s0 =	simm.s32 @!p0 $0x0  }
0x12: {  	s1 =	sld [smem:$0x3F98];
	s0 =	simm.s32 @p0 $0x1  }
0x13: {  	[smem:$0x3FB3] =	sst s0;
	s0 =	simm.s32 @!p1 $0x0  }
0x14: {  	s2 =	sld [smem:$0x3F97];
	s0 =	simm.s32 @p1 $0x1  }
0x15: {  	[smem:$0x3FB4] =	sst s0;
	s0 =	simm.s32 @!p2 $0x0  }
0x16: {  	s3 =	sld [smem:$0x3FDB];
	s0 =	simm.s32 @p2 $0x1  }
0x17: {  	s4 =	simm.s32 $0x1BF5;
	[smem:$0x3FB6] =	sst s0  }
0x18: {  	s0 =	sld [smem:$0x3F99];
	_ =	swait.ge [sflag:s4], $0x0  }
0x19: {  	s7 =	sld [smem:$0x3F9A]  }
0x1a: {  	s8 =	sadd.s32 $0xFFFFE003, lr  }
0x1b: {  	s9 =	sadd.s32 $0xFFFFFEF7, lr;
	s5 =	simm.s32 $0xFFFFFFFF;
	p2 =	slt.u32 s8, $0xFFFFF086  }
0x1c: {  	p1 =	slt.u32 s9, $0xF7A;
	s5 =	simm.s32 @!p2 $0x0  }
0x1d: {  	s5 =	simm.s32 @p1 $0x1;
	p0 =	seq.s32 s7, s2  }
0x1e: {  	s7 =	smul.u32 @!p0 $0xF7A, s2;
	p2 =	seq.s32 @!p0 s5, $0x0  }
0x1f: {  	s9 =	smul.u32 $0xF7A, s1;
	s8 =	simm.s32 @!p0 $0x1BF5;
	p2 =	por !p2, p0  }
0x20: {  	[sflag:s8] =	ssyncset.s32 @!p0 $0xFFFFF086;
	s6 =	sadd.s32 @!p0 s3, s7;
	s7 =	simm.s32 @!p0 $0x108  }
0x21: {  	s3 =	sadd.s32 s3, s9;
	s6 =	sadd.s32 @!p0 $0x88, s6;
	s7 =	simm.s32 @p2 $0x1082  }
0x22: {  	[simem:s7], [sflag:s8] =	dma.local @!p0 [hbm:s6], $0xF7A  }
0x23: {  	s9 =	sor.u32 $0xD0000000, s2;
	s6 =	simm.s32 $0x108;
	_ =	swait.ge @!p0 [sflag:s8], $0x0  }
0x24: {  	s3 =	sadd.s32 $0x88, s3;
	s6 =	simm.s32 @!p1 $0x1082;
	[sflag:s4] =	ssyncset.s32 $0xFFFFF086  }
0x25: {  	[simem:s6], [sflag:s4] =	dma.local [hbm:s3], $0xF7A  }
0x26: {  	[smem:$0x3F9A] =	sst s1;
	(tag) =	ssettag s2;
	_ =	strace s9  }
0x27: {  	s1 =	sld [smem:$0x3FAA]  }
0x28: {  	s2 =	sld [smem:$0x3FAB]  }
0x29: {  	s4 =	sld [smem:$0x3FAD]  }
0x2a: {  	p0 =	seq.s32 s5, $0x0;
	s5 =	sld [smem:$0x3FAE]  }
0x2b: {  	s6 =	sld [smem:$0x3FAF]  }
0x2c: {  	s7 =	sld [smem:$0x3FB0]  }
0x2d: {  	s3 =	simm.s32 $0x108;
	s8 =	sld [smem:$0x3FB1]  }
0x2e: {  	s3 =	simm.s32 @!p0 $0x1082;
	s9 =	sld [smem:$0x3FB2]  }
0x2f: {  	lr =	sadd.s32 s0, s3;
	s0 =	sld [smem:$0x3FA9]  }
0x30: {  	s3 =	sld [smem:$0x3FAC]  }
0x31: {  	[smem:$0x3FB5] =	sst s10  }
0x32: {  	s10 =	sld [smem:$0x3FB3];
	_ =	sdelay $0x3  }
0x33: {  	p0 =	seq.s32 s10, $0x1;
	s10 =	sld [smem:$0x3FB5];
	_ =	sdelay $0x3  }
0x34: {  	[smem:$0x3FB5] =	sst s10  }
0x35: {  	s10 =	sld [smem:$0x3FB4];
	_ =	sdelay $0x3  }
0x36: {  	p1 =	seq.s32 s10, $0x1;
	s10 =	sld [smem:$0x3FB5];
	_ =	sdelay $0x3  }
0x37: {  	[smem:$0x3FB5] =	sst s10  }
0x38: {  	s10 =	sld [smem:$0x3FB6]  }
0x39: {  	_ = 	snop;
	(pc) =	sbr.ind lr, $3  }
0x3a: {  	_ = 	snop  }
0x3b: {  	_ = 	snop  }
0x3c: {  	p2 =	seq.s32 s10, $0x1;
	s10 =	sld [smem:$0x3FB5]  }
0x3d: {  	_ =	shalt  }
0x3e: {  	_ =	shalt  }
0x3f: {  	_ =	shalt  }
0x40: {  	_ =	shalt  }
0x41: {  	_ =	shalt  }
0x42: {  	_ =	shalt  }
0x43: {  	_ =	shalt  }
0x44: {  	_ =	shalt  }
0x45: {  	_ =	shalt  }
0x46: {  	_ =	shalt  }
0x47: {  	_ =	shalt  }
0x48: {  	_ =	shalt  }
0x49: {  	_ =	shalt  }
0x4a: {  	_ =	shalt  }
0x4b: {  	_ =	shalt  }
0x4c: {  	_ =	shalt  }
0x4d: {  	_ =	shalt  }
0x4e: {  	_ =	shalt  }
0x4f: {  	_ =	shalt  }
0x50: {  	_ =	shalt  }
0x51: {  	_ =	shalt  }
0x52: {  	_ =	shalt  }
0x53: {  	_ =	shalt  }
0x54: {  	_ =	shalt  }
0x55: {  	_ =	shalt  }
0x56: {  	_ =	shalt  }
0x57: {  	_ =	shalt  }
0x58: {  	_ =	shalt  }
0x59: {  	_ =	shalt  }
0x5a: {  	_ =	shalt  }
0x5b: {  	_ =	shalt  }
0x5c: {  	_ =	shalt  }
0x5d: {  	_ =	shalt  }
0x5e: {  	_ =	shalt  }
0x5f: {  	_ =	shalt  }
0x60: {  	_ =	shalt  }
0x61: {  	_ =	shalt  }
0x62: {  	_ =	shalt  }
0x63: {  	_ =	shalt  }
0x64: {  	_ =	shalt  }
0x65: {  	_ =	shalt  }
0x66: {  	_ =	shalt  }
0x67: {  	_ =	shalt  }
0x68: {  	_ =	shalt  }
0x69: {  	_ =	shalt  }
0x6a: {  	_ =	shalt  }
0x6b: {  	_ =	shalt  }
0x6c: {  	_ =	shalt  }
0x6d: {  	_ =	shalt  }
0x6e: {  	_ =	shalt  }
0x6f: {  	_ =	shalt  }
0x70: {  	_ =	shalt  }
0x71: {  	_ =	shalt  }
0x72: {  	_ =	shalt  }
0x73: {  	_ =	shalt  }
0x74: {  	_ =	shalt  }
0x75: {  	_ =	shalt  }
0x76: {  	_ =	shalt  }
0x77: {  	_ =	shalt  }
0x78: {  	_ =	shalt  }
0x79: {  	_ =	shalt  }
0x7a: {  	_ =	shalt  }
0x7b: {  	_ =	shalt  }
0x7c: {  	_ =	shalt  }
0x7d: {  	_ =	shalt  }
0x7e: {  	_ =	shalt  }
0x7f: {  	_ =	shalt  }
0x80: {  	_ =	shalt  }
0x81: {  	_ =	shalt  }
0x82: {  	_ =	shalt  }
0x83: {  	_ =	shalt  }
0x84: {  	_ =	shalt  }
0x85: {  	_ =	shalt  }
0x86: {  	_ =	shalt  }
0x87: {  	_ =	shalt  }
.Lfunc_end0:
.L_simem_size_0:
called_computation.1_lowered:
.L_overlay_start_0:
0x88: {  	s2 =	sld [smem:$0x3FD9]  }
0x89: {  	s3 =	sld [smem:$0x3FFE];
	_ =	sdelay $0x1  }
0x8a: {  	s1 =	srdreg.scid  }
0x8b: {  	s0 =	sand.u32 $0x1, s1  }
0x8c: {  	s16 =	sshll.u32 s0, $0xA;
	s2 =	sadd.s32 s3, s2  }
0x8d: {  	s2 =	sadd.s32 s2, s16  }
0x8e: {  	[smem:$0x3FC1] =	sst s2  }
0x8f: {  	_ = 	snop  }
0x90: {  	(tm) =	ssettm $0x1  }
0x91: {  	s17 =	sld [smem:$0x3FFB];
	_ =	sdelay $0x3  }
0x92: {  	_ =	strace s17  }
0x93: {  	s2 =	sld [smem:$0x3FFC];
	_ =	sdelay $0x3  }
0x94: {  	_ =	strace s2  }
0x95: {  	s2 =	sld [smem:$0x3FFD];
	_ =	sdelay $0x3  }
0x96: {  	_ =	strace s2  }
0x97: {  	_ =	strace $0x8FFFFFFF  }
0x98: {  	s18 =	sld [smem:$0x3FDB];
	_ =	sdelay $0x1  }
0x99: {  	s19 =	simm.s32 $_scs_section_size  }
0x9a: {  	s4 =	simm.s32 $_size__tile_overlayer_lowered;
	s5 =	simm.s32 $_tile_overlayer_lowered  }
0x9b: {  	s22 =	simm.s32 $0x1BFF;
	s21 =	sshll.u32 s5, $0x1;
	s2 =	sadd.s32 s19, s18  }
0x9c: {  	s6 =	simm.s32 $0x0;
	s20 =	sshll.u32 s4, $0x1;
	s4 =	sadd.s32 s21, s2  }
0x9d: {  	[timem:s6], [sflag:s22] =	dma.local [hbm:s4], s20  }
0x9e: {  	_ =	swait.ge [sflag:s22], s20  }
0x9f: {  	s3 =	ssub.s32 $0x0, s20;
	[sflag:s22] =	ssyncset.done $0x0  }
0xa0: {  	[sflag:s22] =	ssyncadd.s32 s3;
	_ =	sdelay $0x1  }
0xa1: {  	s23 =	simm.s32 $0x1B8B  }
0xa2: {  	_ =	swait.ge [sflag:s23], $0x1  }
0xa3: {  	[sflag:s23] =	ssyncset.done $0x0  }
0xa4: {  	s25 =	simm.s32 $0x1B8E;
	s24 =	sld [smem:$0x3FFE];
	[sflag:s23] =	ssyncadd.s32 $0xFFFFFFFF  }
0xa5: {  	s26 =	simm.s32 $execute0_lowered;
	[smem:$0x3FD2] =	sst s25  }
0xa6: {  	s4 =	sshll.u32 s26, $0x1;
	_ =	strace $0x80000049;
	[dreg:$0x1] =	wrdreg $0xFFFFFFFF  }
0xa7: {  	s28 =	simm.s32 $_size_execute0_lowered;
	s2 =	sadd.s32 s2, s4;
	[dreg:$0x0] =	wrdreg $0x0  }
0xa8: {  	s4 =	sshll.u32 s28, $0x1;
	[dreg:$0x2] =	wrdreg s2  }
0xa9: {  	[dreg:$0x3] =	wrdreg s4  }
0xaa: {  	[dreg:$0x4] =	wrdreg $0xC0  }
0xab: {  	_ =	task [dreg:s6], $0x5FFFF  }
0xac: {  	[dreg:$0x1] =	wrdreg $0xFFFFFFFF  }
0xad: {  	[dreg:$0x0] =	wrdreg $0x60  }
0xae: {  	[dreg:$0x2] =	wrdreg s24  }
0xaf: {  	[dreg:$0x3] =	wrdreg $0x8C000  }
0xb0: {  	[dreg:$0x4] =	wrdreg $0x9  }
0xb1: {  	_ =	task.clear_ibuf [dreg:s6], $0x5FFFF;
	_ =	strace $0x90000049  }
0xb2: {  	s29 =	simm.s32 $0x9;
	_ =	strace $0x8000004B  }
0xb3: {  	_ =	swait.ge [sflag:s29], $0x1  }
0xb4: {  	[sflag:s29] =	ssyncadd.s32 $0xFFFFFFFF  }
0xb5: {  	_ =	strace $0x9000004B  }
0xb6: {  	_ =	sfence  }
0xb7: {  	s30 =	sld [smem:$0x0];
	_ =	sdelay $0x2  }
0xb8: {  	s31 =	sshll.u32 s1, $0xD;
	s1 =	sshrl.u32 s1, $0x2  }
0xb9: {  	s3 =	sand.u32 $0x4000, s31;
	s1 =	sadd.s32 s1, s30  }
0xba: {  	s0 =	sor.u32 s3, s0;
	s1 =	sshll.u32 s1, $0x11  }
0xbb: {  	s0 =	sor.u32 s1, s0  }
0xbc: {  	s0 =	sadd.s32 $0x8F2B, s0  }
0xbd: {  	[sflag:s0] =	ssyncadd.remote.s32 $0x1  }
0xbe: {  	_ =	sfence.sel $0xFFFF  }
0xbf: {  	[dreg:$0x0] =	wrdreg $0xFFFFFFFF;
	(pc) =	sbr.abs _section_cstart, $3  }
0xc0: {  	[dreg:$0x1] =	wrdreg $0xFFFFFFFF  }
0xc1: {  	_ =	task.clear_ibuf [dreg:s6], $0x2FFFF;
	_ =	strace $0x9FFFFFFF  }
0xc2: {  	(tm) =	ssettm $0x7FFFFFFF  }
0xc3: {  	_ =	shalt  }
tec
execute0_lowered:
.L_overlay_start_1:
0x0: {  	(tag) =	ssettag $0x1  }
0x1: {  	s0 =	rddreg [dreg:$0x0]  }
0x2: {  	s2 =	rddreg [dreg:$0x1]  }
0x3: {  	s1 =	srdreg.scid;
	s3 =	stileid.u32  }
0x4: {  	s24 =	simm.s32 $0x0;
	s28 =	simm.s32 $0x8400;
	s29 =	simm.s32 $0x3  }
0x5: {  	s30 =	simm.s32 $0x2;
	s31 =	simm.s32 $0x1;
	s1 =	sand.u32 $0x1, s1  }
0x6: {  	s5 =	sshll.u32 s3, $0xA;
	[smem:$0x7FF] =	sst s24;
	s6 =	sshll.u32 s3, $0x11  }
0x7: {  	s4 =	sshll.u32 s1, $0xE;
	s7 =	sshll.u32 s1, $0x5;
	_ =	strace $0x8000004A  }
0x8: {  	s1 =	ssub.s32 $0x2, s1;
	s4 =	sor.u32 s5, s4;
	s7 =	sor.u32 s7, s6  }
0x9: {  	s23 =	sshrl.u32 s1, $0x1;
	s6 =	sshrl.u32 s6, $0x2;
	s5 =	sshll.u32 s4, $0x4  }
0xa: {  	s4 =	sshrl.u32 s4, $0x3;
	s7 =	sshrl.u32 s7, $0x3;
	s1 =	ssub.s32 s1, s23  }
0xb: {  	s6 =	sadd.s32 s6, s2;
	s5 =	sadd.s32 s5, s0;
	s4 =	sadd.s32 s4, s0  }
0xc: {  	s0 =	sadd.s32 s7, s0;
	s8 =	smax.u32 s1, $0x1;
	s9 =	sadd.s32 $0x800, s6  }
0xd: {  	s10 =	sadd.s32 $0x1000, s6;
	s11 =	sadd.s32 $0x1800, s6;
	s12 =	sadd.s32 $0x2000, s6  }
0xe: {  	s13 =	sadd.s32 $0x2800, s6;
	s14 =	sadd.s32 $0x3000, s6;
	s15 =	sadd.s32 $0x3800, s6  }
0xf: {  	s16 =	sadd.s32 $0x4000, s6;
	s17 =	sadd.s32 $0x4800, s6;
	s18 =	sadd.s32 $0x5000, s6  }
0x10: {  	s19 =	sadd.s32 $0x5800, s6;
	s20 =	sadd.s32 $0x6000, s6;
	s21 =	sadd.s32 $0x6800, s6  }
0x11: {  	s22 =	sadd.s32 $0x7000, s6;
	s23 =	sadd.s32 $0x7800, s6;
	s25 =	sadd.s32 $0xC2800, s4  }
0x12: {  	s26 =	sadd.s32 $0x42800, s5;
	s7 =	sadd.s32 $0xC3800, s0;
	s0 =	simm.s32 $0x0  }
0x13: {  	s4 =	simm.s32 $0x10;
	s5 =	simm.s32 $0x4;
	[dreg:$0x3] =	wrdreg s25  }
0x14: {  	v0 =	vimm.f32 $0.0e+00;
	[dreg:$0x4] =	wrdreg s26;
	s25 =	simm.s32 $0x80;
	s26 =	simm.s32 $0x400  }
.LBB2_1:
0x15: {  	s1 =	rddreg [dreg:$0x3]  }
0x16: {  	[tilespmem:s24], [sflag:$0x2] =	stream.linear.gather [hbm4b:s1+s24], $0x400, $0x38;
	[tilespmem:$0x10C00] =	vst v63  }
0x17: {  	s3 =	rddreg [dreg:$0x4];
	s24 =	simm.s32 $0x20  }
0x18: {  	[tilespmem:s26], [sflag:$0x1] =	stream.strided.gather [hbm4b:s3+s24], $0x8000, s25, s24, $0x38;
	[tilespmem:$0x10C00] =	vst v63  }
0x19: {  	s1 =	simm.s32 $0x80;
	s24 =	simm.s32 $0x0  }
.LBB2_2:
0x1a: {  	p0 =	sne.s32 s1, $0x1F80;
	[tilespmem:s24+$0x8400] =	vst v0;
	s3 =	smov.u32 s1;
	s1 =	sadd.s32 $0x80, s1  }
.Ltmp0:
0x1b: {  	[tilespmem:s24+$0x8410] =	vst v0;
	(pc) =	sbr.rel @p0 .LBB2_2-.Ltmp0, $2  }
0x1c: {  	_ =	sdelay $0x2  }
0x1d: {  	s24 =	sshra.s32 s3, $0x2  }
0x1e: {  	[tilespmem:s24+$0x8400] =	vst v0  }
0x1f: {  	[tilespmem:s24+$0x8410] =	vst v0  }
0x20: {  	[spmem:s6] =	stream.linear.scatter [tilespmem:s28], [sflag:$0x3], $0x800, $0x38;
	[tilespmem:$0x10C00] =	vst v63  }
0x21: {  	_ =	swait.ge [sflag:s29], $0x800  }
0x22: {  	[sflag:s29] =	ssyncset.done $0x0  }
0x23: {  	[sflag:s29] =	ssyncadd.s32 $0xFFFFF800  }
0x24: {  	[spmem:s9] =	stream.linear.scatter [tilespmem:s28], [sflag:$0x3], $0x800, $0x38;
	[tilespmem:$0x10C00] =	vst v63  }
0x25: {  	_ =	swait.ge [sflag:s29], $0x800  }
0x26: {  	[sflag:s29] =	ssyncset.done $0x0  }
0x27: {  	[sflag:s29] =	ssyncadd.s32 $0xFFFFF800  }
0x28: {  	[spmem:s10] =	stream.linear.scatter [tilespmem:s28], [sflag:$0x3], $0x800, $0x38;
	[tilespmem:$0x10C00] =	vst v63  }
0x29: {  	_ =	swait.ge [sflag:s29], $0x800  }
0x2a: {  	[sflag:s29] =	ssyncset.done $0x0  }
0x2b: {  	[sflag:s29] =	ssyncadd.s32 $0xFFFFF800  }
0x2c: {  	[spmem:s11] =	stream.linear.scatter [tilespmem:s28], [sflag:$0x3], $0x800, $0x38;
	[tilespmem:$0x10C00] =	vst v63  }
0x2d: {  	_ =	swait.ge [sflag:s29], $0x800  }
0x2e: {  	[sflag:s29] =	ssyncset.done $0x0  }
0x2f: {  	[sflag:s29] =	ssyncadd.s32 $0xFFFFF800  }
0x30: {  	[spmem:s12] =	stream.linear.scatter [tilespmem:s28], [sflag:$0x3], $0x800, $0x38;
	[tilespmem:$0x10C00] =	vst v63  }
0x31: {  	_ =	swait.ge [sflag:s29], $0x800  }
0x32: {  	[sflag:s29] =	ssyncset.done $0x0  }
0x33: {  	[sflag:s29] =	ssyncadd.s32 $0xFFFFF800  }
0x34: {  	[spmem:s13] =	stream.linear.scatter [tilespmem:s28], [sflag:$0x3], $0x800, $0x38;
	[tilespmem:$0x10C00] =	vst v63  }
0x35: {  	_ =	swait.ge [sflag:s29], $0x800  }
0x36: {  	[sflag:s29] =	ssyncset.done $0x0  }
0x37: {  	[sflag:s29] =	ssyncadd.s32 $0xFFFFF800  }
0x38: {  	[spmem:s14] =	stream.linear.scatter [tilespmem:s28], [sflag:$0x3], $0x800, $0x38;
	[tilespmem:$0x10C00] =	vst v63  }
0x39: {  	_ =	swait.ge [sflag:s29], $0x800  }
0x3a: {  	[sflag:s29] =	ssyncset.done $0x0  }
0x3b: {  	[sflag:s29] =	ssyncadd.s32 $0xFFFFF800  }
0x3c: {  	[spmem:s15] =	stream.linear.scatter [tilespmem:s28], [sflag:$0x3], $0x800, $0x38;
	[tilespmem:$0x10C00] =	vst v63  }
0x3d: {  	_ =	swait.ge [sflag:s29], $0x800  }
0x3e: {  	[sflag:s29] =	ssyncset.done $0x0  }
0x3f: {  	[sflag:s29] =	ssyncadd.s32 $0xFFFFF800  }
0x40: {  	[spmem:s16] =	stream.linear.scatter [tilespmem:s28], [sflag:$0x3], $0x800, $0x38;
	[tilespmem:$0x10C00] =	vst v63  }
0x41: {  	_ =	swait.ge [sflag:s29], $0x800  }
0x42: {  	[sflag:s29] =	ssyncset.done $0x0  }
0x43: {  	[sflag:s29] =	ssyncadd.s32 $0xFFFFF800  }
0x44: {  	[spmem:s17] =	stream.linear.scatter [tilespmem:s28], [sflag:$0x3], $0x800, $0x38;
	[tilespmem:$0x10C00] =	vst v63  }
0x45: {  	_ =	swait.ge [sflag:s29], $0x800  }
0x46: {  	[sflag:s29] =	ssyncset.done $0x0  }
0x47: {  	[sflag:s29] =	ssyncadd.s32 $0xFFFFF800  }
0x48: {  	[spmem:s18] =	stream.linear.scatter [tilespmem:s28], [sflag:$0x3], $0x800, $0x38;
	[tilespmem:$0x10C00] =	vst v63  }
0x49: {  	_ =	swait.ge [sflag:s29], $0x800  }
0x4a: {  	[sflag:s29] =	ssyncset.done $0x0  }
0x4b: {  	[sflag:s29] =	ssyncadd.s32 $0xFFFFF800  }
0x4c: {  	[spmem:s19] =	stream.linear.scatter [tilespmem:s28], [sflag:$0x3], $0x800, $0x38;
	[tilespmem:$0x10C00] =	vst v63  }
0x4d: {  	_ =	swait.ge [sflag:s29], $0x800  }
0x4e: {  	[sflag:s29] =	ssyncset.done $0x0  }
0x4f: {  	[sflag:s29] =	ssyncadd.s32 $0xFFFFF800  }
0x50: {  	[spmem:s20] =	stream.linear.scatter [tilespmem:s28], [sflag:$0x3], $0x800, $0x38;
	[tilespmem:$0x10C00] =	vst v63  }
0x51: {  	_ =	swait.ge [sflag:s29], $0x800  }
0x52: {  	[sflag:s29] =	ssyncset.done $0x0  }
0x53: {  	[sflag:s29] =	ssyncadd.s32 $0xFFFFF800  }
0x54: {  	[spmem:s21] =	stream.linear.scatter [tilespmem:s28], [sflag:$0x3], $0x800, $0x38;
	[tilespmem:$0x10C00] =	vst v63  }
0x55: {  	_ =	swait.ge [sflag:s29], $0x800  }
0x56: {  	[sflag:s29] =	ssyncset.done $0x0  }
0x57: {  	[sflag:s29] =	ssyncadd.s32 $0xFFFFF800  }
0x58: {  	[spmem:s22] =	stream.linear.scatter [tilespmem:s28], [sflag:$0x3], $0x800, $0x38;
	[tilespmem:$0x10C00] =	vst v63  }
0x59: {  	_ =	swait.ge [sflag:s29], $0x800  }
0x5a: {  	[sflag:s29] =	ssyncset.done $0x0  }
0x5b: {  	[sflag:s29] =	ssyncadd.s32 $0xFFFFF800  }
0x5c: {  	[spmem:s23] =	stream.linear.scatter [tilespmem:s28], [sflag:$0x3], $0x800, $0x38;
	[tilespmem:$0x10C00] =	vst v63  }
0x5d: {  	_ =	swait.ge [sflag:s29], $0x800  }
0x5e: {  	[sflag:s29] =	ssyncset.done $0x0  }
0x5f: {  	[sflag:s29] =	ssyncadd.s32 $0xFFFFF800  }
0x60: {  	_ =	swait.ge [sflag:s30], $0x400  }
0x61: {  	[sflag:s30] =	ssyncset.done $0x0  }
0x62: {  	[sflag:s30] =	ssyncadd.s32 $0xFFFFFC00  }
0x63: {  	_ =	swait.ge [sflag:s31], $0x8000  }
0x64: {  	[sflag:s31] =	ssyncset.done $0x0  }
0x65: {  	[sflag:s31] =	ssyncadd.s32 $0xFFFF8000  }
0x66: {  	s24 =	simm.s32 $0x0;
	[bflag:$0x0] =	sbarrier.arrive $0xFFFF  }
0x67: {  	[spmem:s2] =	stream.indirect.scatter.add.f32 [tilespmem:s26], [sflag:$0x3], $0x20, s24, s25, $0xb8;
	[tilespmem:$0x10C00] =	vst v63  }
0x68: {  	_ =	swait.ge [sflag:s29], $0x1000  }
0x69: {  	[sflag:s29] =	ssyncset.done $0x0  }
0x6a: {  	s1 =	simm.s32 $0x1400;
	[sflag:s29] =	ssyncadd.s32 $0xFFFFF000  }
0x6b: {  	[spmem:s2] =	stream.indirect.scatter.add.f32 [tilespmem:s1], [sflag:$0x3], $0x20, s25, s25, $0xb8;
	[tilespmem:$0x10C00] =	vst v63  }
0x6c: {  	_ =	swait.ge [sflag:s29], $0x1000  }
0x6d: {  	[sflag:s29] =	ssyncset.done $0x0  }
0x6e: {  	s3 =	simm.s32 $0x2400;
	s1 =	simm.s32 $0x100;
	[sflag:s29] =	ssyncadd.s32 $0xFFFFF000  }
0x6f: {  	[spmem:s2] =	stream.indirect.scatter.add.f32 [tilespmem:s3], [sflag:$0x3], $0x20, s1, s25, $0xb8;
	[tilespmem:$0x10C00] =	vst v63  }
0x70: {  	_ =	swait.ge [sflag:s29], $0x1000  }
0x71: {  	[sflag:s29] =	ssyncset.done $0x0  }
0x72: {  	s1 =	simm.s32 $0x180;
	s3 =	simm.s32 $0x3400;
	[sflag:s29] =	ssyncadd.s32 $0xFFFFF000  }
0x73: {  	[spmem:s2] =	stream.indirect.scatter.add.f32 [tilespmem:s3], [sflag:$0x3], $0x20, s1, s25, $0xb8;
	[tilespmem:$0x10C00] =	vst v63  }
0x74: {  	_ =	swait.ge [sflag:s29], $0x1000  }
0x75: {  	[sflag:s29] =	ssyncset.done $0x0  }
0x76: {  	s1 =	simm.s32 $0x200;
	s3 =	simm.s32 $0x4400;
	[sflag:s29] =	ssyncadd.s32 $0xFFFFF000  }
0x77: {  	[spmem:s2] =	stream.indirect.scatter.add.f32 [tilespmem:s3], [sflag:$0x3], $0x20, s1, s25, $0xb8;
	[tilespmem:$0x10C00] =	vst v63  }
0x78: {  	_ =	swait.ge [sflag:s29], $0x1000  }
0x79: {  	[sflag:s29] =	ssyncset.done $0x0  }
0x7a: {  	s1 =	simm.s32 $0x280;
	s3 =	simm.s32 $0x5400;
	[sflag:s29] =	ssyncadd.s32 $0xFFFFF000  }
0x7b: {  	[spmem:s2] =	stream.indirect.scatter.add.f32 [tilespmem:s3], [sflag:$0x3], $0x20, s1, s25, $0xb8;
	[tilespmem:$0x10C00] =	vst v63  }
0x7c: {  	_ =	swait.ge [sflag:s29], $0x1000  }
0x7d: {  	[sflag:s29] =	ssyncset.done $0x0  }
0x7e: {  	s1 =	simm.s32 $0x300;
	s3 =	simm.s32 $0x6400;
	[sflag:s29] =	ssyncadd.s32 $0xFFFFF000  }
0x7f: {  	[spmem:s2] =	stream.indirect.scatter.add.f32 [tilespmem:s3], [sflag:$0x3], $0x20, s1, s25, $0xb8;
	[tilespmem:$0x10C00] =	vst v63  }
0x80: {  	_ =	swait.ge [sflag:s29], $0x1000  }
0x81: {  	[sflag:s29] =	ssyncset.done $0x0  }
0x82: {  	s1 =	simm.s32 $0x380;
	s3 =	simm.s32 $0x7400;
	[sflag:s29] =	ssyncadd.s32 $0xFFFFF000  }
0x83: {  	[spmem:s2] =	stream.indirect.scatter.add.f32 [tilespmem:s3], [sflag:$0x3], $0x20, s1, s25, $0xb8;
	[tilespmem:$0x10C00] =	vst v63  }
0x84: {  	s0 =	sadd.s32 $0x1, s0;
	_ =	swait.ge [sflag:s29], $0x1000  }
0x85: {  	p0 =	sne.s32 s0, s8;
	s3 =	stileid.u32;
	[sflag:s29] =	ssyncset.done $0x0  }
0x86: {  	s1 =	sshll.u32 s3, $0x6;
	s3 =	sshrl.u32 s6, $0x3;
	[sflag:s29] =	ssyncadd.s32 $0xFFFFF000  }
.Ltmp1:
0x87: {  	s1 =	sor.u32 $0x1C03, s1;
	[bflag:$0x0] =	sbarrier.arrive $0xFFFF;
	(pc) =	sbr.rel @p0 .LBB2_1-.Ltmp1, $4  }
0x88: {  	[hbm:s7@s4], [sflag:s1] =	dma.strided [spmem:s3@s5], $0x1000, s31, $0x4   }
0x89: {  	_ =	swait.ge [sflag:s29], $0x1000  }
0x8a: {  	[sflag:s29] =	ssyncset.done $0x0  }
0x8b: {  	[sflag:s29] =	ssyncadd.s32 $0xFFFFF000  }
0x8c: {  	_ =	sfence.sel $0x180000  }
0x8d: {  	[bflag:$0x0] =	sbarrier.arrive $0xFFFF  }
0x8e: {  	_ =	strace $0x9000004A  }
0x8f: {  	s0 =	stileid.u32;
	[bflag:$0x2] =	sbarrier.arrive $0xFFFF  }
0x90: {  	p0 =	sne.s32 s0, $0x0;
	s0 =	rddreg [dreg:$0x2]  }
0x91: {  	s0 =	sadd.s32 @!p0 $0x100000, s0  }
0x92: {  	[sflag:s0] =	ssyncadd.tile.s32 @!p0 $0x1;
	_ =	shalt  }
.Lfunc_end2:
_tile_overlayer_lowered:
.L_overlay_start_2:
0x93: {  	(tag) =	ssettag $0x2  }
0x94: {  	s0 =	rddreg [dreg:$0x0];
	s2 =	stileid.u32  }
0x95: {  	s1 =	rddreg [dreg:$0x1];
	p0 =	sne.s32 s2, $0x0  }
0x96: {  	s3 =	rddreg [dreg:$0x2];
	[bflag:$0x3] =	sbarrier.arrive $0xFFFF;
	s2 =	simm.s32 @!p0 $0x1C03  }
0x97: {  	[timem:s3], [sflag:s2] =	dma.local @!p0 [hbm:s0], s1  }
0x98: {  	s0 =	simm.s32 @!p0 $0x3  }
0x99: {  	_ =	swait.ge @!p0 [sflag:s0], s1  }
0x9a: {  	s1 =	ssub.s32 @!p0 $0x0, s1;
	[sflag:s0] =	ssyncset.done @!p0 $0x0  }
0x9b: {  	[sflag:s0] =	ssyncadd.s32 @!p0 s1  }
0x9c: {  	[bflag:$0x3] =	sbarrier.arrive $0xFFFF  }
0x9d: {  	_ =	shalt  }

</sc_bundles>
